<compile_context>
chip_gen: v7x
topology: tpu7x:2x2x1
jax: 0.10.2.dev20260603
libtpu: 0.0.44.dev20260713+nightly
codegen_flags: <defaults>
</compile_context>

<pallas_src>
import functools

import jax
import jax.numpy as jnp
from jax import lax
from jax.experimental import pallas as pl
from jax.experimental.pallas import tpu as pltpu
from jax.experimental.pallas import tpu_sc as plsc

N = 10000
E = 320000
D_IN = 128
D_HID = 64
D_OUT = 128

NC = 2
NS = 16
NW = NC * NS
CHUNK = 128
EPW = 10240
E_PAD = NW * EPW
NCHUNK = EPW // CHUNK
WT = 128
N_T = 10008

ROWS_PER_SUB = 624
TAIL_BASE = ROWS_PER_SUB * NS
TAIL_ROWS = N_T - TAIL_BASE


def _make_sc_agg():
    mesh = plsc.VectorSubcoreMesh(core_axis_name="c", subcore_axis_name="s",
                                  num_cores=NC, num_subcores=NS)

    @functools.partial(
        pl.kernel,
        out_type=jax.ShapeDtypeStruct((NC, N_T, WT), jnp.float32),
        mesh=mesh,
        scratch_types=[
            pltpu.VMEM((NCHUNK, CHUNK), jnp.int32),
            pltpu.VMEM((NCHUNK, CHUNK), jnp.int32),
            pltpu.VMEM((CHUNK, WT), jnp.float32),
            pltpu.VMEM_SHARED((N_T, WT), jnp.float32),
            pltpu.SemaphoreType.DMA,
        ],
    )
    def sc_agg(table_hbm, src_hbm, dst_hbm, zeros_hbm, out_hbm,
               src_v, dst_v, msg, acc_sh, sem):
        cid = lax.axis_index("c")
        sid = lax.axis_index("s")
        wid = sid * NC + cid

        pltpu.sync_copy(zeros_hbm.at[pl.ds(sid * ROWS_PER_SUB, ROWS_PER_SUB)],
                        acc_sh.at[pl.ds(sid * ROWS_PER_SUB, ROWS_PER_SUB)])

        @pl.when(sid == 0)
        def _():
            pltpu.sync_copy(zeros_hbm.at[pl.ds(TAIL_BASE, TAIL_ROWS)],
                            acc_sh.at[pl.ds(TAIL_BASE, TAIL_ROWS)])

        pltpu.sync_copy(src_hbm.at[wid], src_v)
        pltpu.sync_copy(dst_hbm.at[wid], dst_v)
        plsc.subcore_barrier()

        def body(j, carry):
            pltpu.async_copy(table_hbm.at[src_v.at[j]], msg, sem).wait()
            pltpu.sync_copy(msg, acc_sh.at[dst_v.at[j]], add=True)
            return carry

        lax.fori_loop(0, NCHUNK, body, 0)

        plsc.subcore_barrier()
        pltpu.sync_copy(acc_sh.at[pl.ds(sid * ROWS_PER_SUB, ROWS_PER_SUB)],
                        out_hbm.at[cid, pl.ds(sid * ROWS_PER_SUB, ROWS_PER_SUB)])

        @pl.when(sid == 0)
        def _():
            pltpu.sync_copy(acc_sh.at[pl.ds(TAIL_BASE, TAIL_ROWS)],
                            out_hbm.at[cid, pl.ds(TAIL_BASE, TAIL_ROWS)])

    return sc_agg


_sc_agg_cache = []


def _sc_agg():
    if not _sc_agg_cache:
        _sc_agg_cache.append(_make_sc_agg())
    return _sc_agg_cache[0]



def _proj1_body(x_ref, w_ref, o_ref):
    y = jnp.dot(x_ref[...], w_ref[...], preferred_element_type=jnp.float32)
    ones = jnp.ones((N, 1), jnp.float32)
    pad = jnp.zeros((N, WT - D_HID - 1), jnp.float32)
    rowpad = jnp.zeros((N_T - N, WT), jnp.float32)
    o_ref[...] = jnp.concatenate(
        [jnp.concatenate([y, ones, pad], axis=1), rowpad], axis=0)


def _mid_body(acc_ref, x_ref, w_ref, b_ref, o_ref):
    a = (acc_ref[0] + acc_ref[1])[:N]
    deg = a[:, D_HID:D_HID + 1]
    mean = a[:, :D_HID] / jnp.clip(deg, 1.0, None)
    xw = jnp.dot(x_ref[...], w_ref[...], preferred_element_type=jnp.float32)
    h = jax.nn.relu(mean + xw + b_ref[...])
    ones = jnp.ones((N, 1), jnp.float32)
    pad = jnp.zeros((N, WT - D_HID - 1), jnp.float32)
    rowpad = jnp.zeros((N_T - N, WT), jnp.float32)
    o_ref[...] = jnp.concatenate(
        [jnp.concatenate([h, ones, pad], axis=1), rowpad], axis=0)


def _final_body(acc2_ref, h_ref, wl_ref, wr_ref, b_ref, o_ref):
    a = (acc2_ref[0] + acc2_ref[1])[:N]
    deg = a[:, D_HID:D_HID + 1]
    mean = a[:, :D_HID] / jnp.clip(deg, 1.0, None)
    mm = jnp.dot(mean, wl_ref[...], preferred_element_type=jnp.float32)
    hw = jnp.dot(h_ref[:N, :D_HID], wr_ref[...],
                 preferred_element_type=jnp.float32)
    o_ref[...] = jax.nn.relu(mm + hw + b_ref[...])


def kernel(x, edge_index, W1_l, W1_r, b1, W2_l, W2_r, b2):
    ei = edge_index.astype(jnp.int32)
    pad = jnp.full((2, E_PAD - E), N, jnp.int32)
    ei = jnp.concatenate([ei, pad], axis=1)
    src = ei[0].reshape(NW, NCHUNK, CHUNK)
    dst = ei[1].reshape(NW, NCHUNK, CHUNK)
    zeros = jnp.zeros((N_T, WT), jnp.float32)

    y1t = pl.pallas_call(
        _proj1_body,
        out_shape=jax.ShapeDtypeStruct((N_T, WT), jnp.float32),
    )(x, W1_l)

    acc1 = _sc_agg()(y1t, src, dst, zeros)

    ht = pl.pallas_call(
        _mid_body,
        out_shape=jax.ShapeDtypeStruct((N_T, WT), jnp.float32),
    )(acc1, x, W1_r, b1.reshape(1, D_HID))

    acc2 = _sc_agg()(ht, src, dst, zeros)

    out = pl.pallas_call(
        _final_body,
        out_shape=jax.ShapeDtypeStruct((N, D_OUT), jnp.float32),
    )(acc2, ht, W2_l, W2_r, b2.reshape(1, D_OUT))

    return out

# --- scband reference (transcript-rebuilt; emitter-appended) ---
"""Pipeline reference for scband-graph-sage-62955630624874 (READ-ONLY COPY).

The authoritative reference and input builder live on the scoring server;
editing this copy changes nothing except your own understanding.
"""

import jax, jax.numpy as jnp
import numpy as np

N_NODES = 10000
N_EDGES = 320000
D_IN = 128
D_HID = 64
D_OUT = 128


def setup_inputs(seed: int = 0) -> dict:
    key = jax.random.key(seed)
    ks = jax.random.split(key, 8)
    x = jax.random.normal(ks[0], (N_NODES, D_IN), dtype=jnp.float32)
    edge_index = jax.random.randint(ks[1], (2, N_EDGES), 0, N_NODES, dtype=jnp.int64)
    # layer 1 params (SAGEConv in=128, out=64)
    s1 = 1.0 / np.sqrt(D_IN)
    W1_l = jax.random.uniform(ks[2], (D_IN, D_HID), dtype=jnp.float32, minval=-s1, maxval=s1)
    W1_r = jax.random.uniform(ks[3], (D_IN, D_HID), dtype=jnp.float32, minval=-s1, maxval=s1)
    b1 = jnp.zeros((D_HID,), dtype=jnp.float32)
    # layer 2 params (SAGEConv in=64, out=128)
    s2 = 1.0 / np.sqrt(D_HID)
    W2_l = jax.random.uniform(ks[4], (D_HID, D_OUT), dtype=jnp.float32, minval=-s2, maxval=s2)
    W2_r = jax.random.uniform(ks[5], (D_HID, D_OUT), dtype=jnp.float32, minval=-s2, maxval=s2)
    b2 = jnp.zeros((D_OUT,), dtype=jnp.float32)
    return {"x": x, "edge_index": edge_index, "W1_l": W1_l, "W1_r": W1_r, "b1": b1,
            "W2_l": W2_l, "W2_r": W2_r, "b2": b2}


def _sage_conv(x, edge_index, W_l, W_r, b):
    # SAGEConv with mean aggregation:
    # out = mean_{j in N(i)} x_j @ W_l + x_i @ W_r + b
    src = edge_index[0]
    dst = edge_index[1]
    msg = jnp.take(x, src, axis=0)                                   # gather [E, d]
    agg = jax.ops.segment_sum(msg, dst, num_segments=x.shape[0])     # scatter-add [N, d]
    deg = jax.ops.segment_sum(jnp.ones((edge_index.shape[1],), dtype=x.dtype),
                              dst, num_segments=x.shape[0])
    mean = agg / jnp.clip(deg, 1.0, None)[:, None]
    return mean @ W_l + x @ W_r + b


def reference(x, edge_index, W1_l, W1_r, b1, W2_l, W2_r, b2):
    h = jax.nn.relu(_sage_conv(x, edge_index, W1_l, W1_r, b1))
    out = jax.nn.relu(_sage_conv(h, edge_index, W2_l, W2_r, b2))
    return out

if __name__ == "__main__":
    import jax
    _d = setup_inputs()
    print(jax.jit(kernel)(*tuple(_d.values())))

</pallas_src>

<mosaic_0001>
#map = affine_map<(d0, d1) -> (0, 0)>
#map1 = affine_map<(d0, d1) -> (0, 0, 0)>
module attributes {stable_mosaic.version = 14 : i64} {
  func.func @sc_agg(%arg0: i32, %arg1: i32, %arg2: memref<10008x128xf32, #tpu.memory_space<hbm>>, %arg3: memref<32x80x128xi32, #tpu.memory_space<hbm>>, %arg4: memref<32x80x128xi32, #tpu.memory_space<hbm>>, %arg5: memref<10008x128xf32, #tpu.memory_space<hbm>>, %arg6: memref<2x10008x128xf32, #tpu.memory_space<hbm>>, %arg7: memref<80x128xi32, #tpu.memory_space<vmem>>, %arg8: memref<80x128xi32, #tpu.memory_space<vmem>>, %arg9: memref<128x128xf32, #tpu.memory_space<vmem>>, %arg10: memref<10008x128xf32, #tpu.memory_space<vmem_shared>>, %arg11: memref<!tpu.dma_semaphore, #tpu.memory_space<semaphore_mem>>) attributes {dimension_semantics = [#tpu.dimension_semantics<core_parallel>, #tpu.dimension_semantics<subcore_parallel>], iteration_bounds = array<i64: 2, 16>, scalar_prefetch = 0 : i64, scratch_operands = 5 : i64, tpu.core_type = #tpu.core_type<sc_vector_subcore>, window_params = [{transform_indices = #map}, {transform_indices = #map1}, {transform_indices = #map1}, {transform_indices = #map}, {transform_indices = #map1}]} {
    %mul3A = arith.constant 2 : i32
    %mul3A_0 = arith.muli %arg1, %mul3A : i32
    %add3A = arith.addi %mul3A_0, %arg0 : i32
    %mul3A_1 = arith.constant 624 : i32
    %mul3A_2 = arith.muli %arg1, %mul3A_1 : i32
    %mul3A_3 = arith.constant 624 : i32
    %mul3A_4 = arith.muli %arg1, %mul3A_3 : i32
    "tpu.region"() ({
      %run_scoped3A = tpu.sem_alloc : memref<!tpu.dma_semaphore, #tpu.memory_space<semaphore_mem>>
      %dma_start3A = arith.constant 0 : i32
      %dma_start3A_22 = tpu.memref_slice %arg10[%mul3A_4, %dma_start3A] : memref<10008x128xf32, #tpu.memory_space<vmem_shared>> -> memref<624x128xf32, #tpu.memory_space<vmem_shared>>
      %dma_start3A_23 = arith.constant 0 : i32
      %dma_start3A_24 = tpu.memref_slice %arg5[%mul3A_2, %dma_start3A_23] : memref<10008x128xf32, #tpu.memory_space<hbm>> -> memref<624x128xf32, #tpu.memory_space<hbm>>
      tpu.enqueue_dma source(%dma_start3A_24 : memref<624x128xf32, #tpu.memory_space<hbm>>) target(%dma_start3A_22 : memref<624x128xf32, #tpu.memory_space<vmem_shared>>) target_semaphore(%run_scoped3A : memref<!tpu.dma_semaphore, #tpu.memory_space<semaphore_mem>>)
      %dma_wait3A = arith.constant 0 : i32
      %dma_wait3A_25 = tpu.memref_slice %arg10[%mul3A_4, %dma_wait3A] : memref<10008x128xf32, #tpu.memory_space<vmem_shared>> -> memref<624x128xf32, #tpu.memory_space<vmem_shared>>
      %dma_wait3A_26 = arith.constant 0 : i32
      %dma_wait3A_27 = tpu.memref_slice %arg5[%mul3A_2, %dma_wait3A_26] : memref<10008x128xf32, #tpu.memory_space<hbm>> -> memref<624x128xf32, #tpu.memory_space<hbm>>
      tpu.wait_dma2 semaphore(%run_scoped3A : memref<!tpu.dma_semaphore, #tpu.memory_space<semaphore_mem>>) src(%dma_wait3A_27 : memref<624x128xf32, #tpu.memory_space<hbm>>) dst(%dma_wait3A_25 : memref<624x128xf32, #tpu.memory_space<vmem_shared>>)
      tpu.yield
    }) : () -> ()
    %eq3A = arith.constant 0 : i32
    %eq3A_5 = arith.cmpi eq, %arg1, %eq3A : i32
    %convert_element_type3A = arith.extui %eq3A_5 : i1 to i32
    %cond3A = arith.constant 0 : i32
    %cond3A_6 = arith.cmpi ne, %convert_element_type3A, %cond3A : i32
    scf.if %cond3A_6 {
      "tpu.region"() ({
        %run_scoped3A = tpu.sem_alloc : memref<!tpu.dma_semaphore, #tpu.memory_space<semaphore_mem>>
        %dma_start3A = arith.constant 9984 : i32
        %dma_start3A_22 = arith.constant 0 : i32
        %dma_start3A_23 = tpu.memref_slice %arg10[%dma_start3A, %dma_start3A_22] : memref<10008x128xf32, #tpu.memory_space<vmem_shared>> -> memref<24x128xf32, #tpu.memory_space<vmem_shared>>
        %dma_start3A_24 = arith.constant 9984 : i32
        %dma_start3A_25 = arith.constant 0 : i32
        %dma_start3A_26 = tpu.memref_slice %arg5[%dma_start3A_24, %dma_start3A_25] : memref<10008x128xf32, #tpu.memory_space<hbm>> -> memref<24x128xf32, #tpu.memory_space<hbm>>
        tpu.enqueue_dma source(%dma_start3A_26 : memref<24x128xf32, #tpu.memory_space<hbm>>) target(%dma_start3A_23 : memref<24x128xf32, #tpu.memory_space<vmem_shared>>) target_semaphore(%run_scoped3A : memref<!tpu.dma_semaphore, #tpu.memory_space<semaphore_mem>>)
        %dma_wait3A = arith.constant 9984 : i32
        %dma_wait3A_27 = arith.constant 0 : i32
        %dma_wait3A_28 = tpu.memref_slice %arg10[%dma_wait3A, %dma_wait3A_27] : memref<10008x128xf32, #tpu.memory_space<vmem_shared>> -> memref<24x128xf32, #tpu.memory_space<vmem_shared>>
        %dma_wait3A_29 = arith.constant 9984 : i32
        %dma_wait3A_30 = arith.constant 0 : i32
        %dma_wait3A_31 = tpu.memref_slice %arg5[%dma_wait3A_29, %dma_wait3A_30] : memref<10008x128xf32, #tpu.memory_space<hbm>> -> memref<24x128xf32, #tpu.memory_space<hbm>>
        tpu.wait_dma2 semaphore(%run_scoped3A : memref<!tpu.dma_semaphore, #tpu.memory_space<semaphore_mem>>) src(%dma_wait3A_31 : memref<24x128xf32, #tpu.memory_space<hbm>>) dst(%dma_wait3A_28 : memref<24x128xf32, #tpu.memory_space<vmem_shared>>)
        tpu.yield
      }) : () -> ()
    } else {
    }
    "tpu.region"() ({
      %run_scoped3A = tpu.sem_alloc : memref<!tpu.dma_semaphore, #tpu.memory_space<semaphore_mem>>
      %dma_start3A = arith.constant 0 : i32
      %dma_start3A_22 = arith.constant 0 : i32
      %dma_start3A_23 = tpu.memref_slice %arg3[%add3A, %dma_start3A, %dma_start3A_22] : memref<32x80x128xi32, #tpu.memory_space<hbm>> -> memref<1x80x128xi32, #tpu.memory_space<hbm>>
      %dma_start3A_24 = tpu.memref_squeeze %dma_start3A_23 : memref<1x80x128xi32, #tpu.memory_space<hbm>> -> memref<80x128xi32, #tpu.memory_space<hbm>>
      %dma_start3A_25 = arith.constant 0 : i32
      %dma_start3A_26 = arith.constant 0 : i32
      %dma_start3A_27 = tpu.memref_slice %arg3[%add3A, %dma_start3A_25, %dma_start3A_26] : memref<32x80x128xi32, #tpu.memory_space<hbm>> -> memref<1x80x128xi32, #tpu.memory_space<hbm>>
      %dma_start3A_28 = tpu.memref_squeeze %dma_start3A_27 : memref<1x80x128xi32, #tpu.memory_space<hbm>> -> memref<80x128xi32, #tpu.memory_space<hbm>>
      tpu.enqueue_dma source(%dma_start3A_28 : memref<80x128xi32, #tpu.memory_space<hbm>>) target(%arg7 : memref<80x128xi32, #tpu.memory_space<vmem>>) target_semaphore(%run_scoped3A : memref<!tpu.dma_semaphore, #tpu.memory_space<semaphore_mem>>)
      %dma_wait3A = arith.constant 0 : i32
      %dma_wait3A_29 = arith.constant 0 : i32
      %dma_wait3A_30 = tpu.memref_slice %arg3[%add3A, %dma_wait3A, %dma_wait3A_29] : memref<32x80x128xi32, #tpu.memory_space<hbm>> -> memref<1x80x128xi32, #tpu.memory_space<hbm>>
      %dma_wait3A_31 = tpu.memref_squeeze %dma_wait3A_30 : memref<1x80x128xi32, #tpu.memory_space<hbm>> -> memref<80x128xi32, #tpu.memory_space<hbm>>
      %dma_wait3A_32 = arith.constant 0 : i32
      %dma_wait3A_33 = arith.constant 0 : i32
      %dma_wait3A_34 = tpu.memref_slice %arg3[%add3A, %dma_wait3A_32, %dma_wait3A_33] : memref<32x80x128xi32, #tpu.memory_space<hbm>> -> memref<1x80x128xi32, #tpu.memory_space<hbm>>
      %dma_wait3A_35 = tpu.memref_squeeze %dma_wait3A_34 : memref<1x80x128xi32, #tpu.memory_space<hbm>> -> memref<80x128xi32, #tpu.memory_space<hbm>>
      tpu.wait_dma2 semaphore(%run_scoped3A : memref<!tpu.dma_semaphore, #tpu.memory_space<semaphore_mem>>) src(%dma_wait3A_35 : memref<80x128xi32, #tpu.memory_space<hbm>>) dst(%arg7 : memref<80x128xi32, #tpu.memory_space<vmem>>)
      tpu.yield
    }) : () -> ()
    "tpu.region"() ({
      %run_scoped3A = tpu.sem_alloc : memref<!tpu.dma_semaphore, #tpu.memory_space<semaphore_mem>>
      %dma_start3A = arith.constant 0 : i32
      %dma_start3A_22 = arith.constant 0 : i32
      %dma_start3A_23 = tpu.memref_slice %arg4[%add3A, %dma_start3A, %dma_start3A_22] : memref<32x80x128xi32, #tpu.memory_space<hbm>> -> memref<1x80x128xi32, #tpu.memory_space<hbm>>
      %dma_start3A_24 = tpu.memref_squeeze %dma_start3A_23 : memref<1x80x128xi32, #tpu.memory_space<hbm>> -> memref<80x128xi32, #tpu.memory_space<hbm>>
      %dma_start3A_25 = arith.constant 0 : i32
      %dma_start3A_26 = arith.constant 0 : i32
      %dma_start3A_27 = tpu.memref_slice %arg4[%add3A, %dma_start3A_25, %dma_start3A_26] : memref<32x80x128xi32, #tpu.memory_space<hbm>> -> memref<1x80x128xi32, #tpu.memory_space<hbm>>
      %dma_start3A_28 = tpu.memref_squeeze %dma_start3A_27 : memref<1x80x128xi32, #tpu.memory_space<hbm>> -> memref<80x128xi32, #tpu.memory_space<hbm>>
      tpu.enqueue_dma source(%dma_start3A_28 : memref<80x128xi32, #tpu.memory_space<hbm>>) target(%arg8 : memref<80x128xi32, #tpu.memory_space<vmem>>) target_semaphore(%run_scoped3A : memref<!tpu.dma_semaphore, #tpu.memory_space<semaphore_mem>>)
      %dma_wait3A = arith.constant 0 : i32
      %dma_wait3A_29 = arith.constant 0 : i32
      %dma_wait3A_30 = tpu.memref_slice %arg4[%add3A, %dma_wait3A, %dma_wait3A_29] : memref<32x80x128xi32, #tpu.memory_space<hbm>> -> memref<1x80x128xi32, #tpu.memory_space<hbm>>
      %dma_wait3A_31 = tpu.memref_squeeze %dma_wait3A_30 : memref<1x80x128xi32, #tpu.memory_space<hbm>> -> memref<80x128xi32, #tpu.memory_space<hbm>>
      %dma_wait3A_32 = arith.constant 0 : i32
      %dma_wait3A_33 = arith.constant 0 : i32
      %dma_wait3A_34 = tpu.memref_slice %arg4[%add3A, %dma_wait3A_32, %dma_wait3A_33] : memref<32x80x128xi32, #tpu.memory_space<hbm>> -> memref<1x80x128xi32, #tpu.memory_space<hbm>>
      %dma_wait3A_35 = tpu.memref_squeeze %dma_wait3A_34 : memref<1x80x128xi32, #tpu.memory_space<hbm>> -> memref<80x128xi32, #tpu.memory_space<hbm>>
      tpu.wait_dma2 semaphore(%run_scoped3A : memref<!tpu.dma_semaphore, #tpu.memory_space<semaphore_mem>>) src(%dma_wait3A_35 : memref<80x128xi32, #tpu.memory_space<hbm>>) dst(%arg8 : memref<80x128xi32, #tpu.memory_space<vmem>>)
      tpu.yield
    }) : () -> ()
    %barrier3A = arith.constant 0 : index
    tpu.barrier barrier_id(%barrier3A)
    %scan3A = arith.constant 0 : i32
    %scan3A_7 = arith.constant 0 : i32
    %scan3A_8 = arith.constant 80 : i32
    %scan3A_9 = arith.addi %scan3A_7, %scan3A_8 : i32
    %scan3A_10 = arith.constant 1 : i32
    scf.for %scan3A_22 = %scan3A_7 to %scan3A_9 step %scan3A_10  : i32 {
      %dma_start3A = arith.constant 0 : i32
      %dma_start3A_23 = tpu.memref_slice %arg7[%scan3A_22, %dma_start3A] : memref<80x128xi32, #tpu.memory_space<vmem>> -> memref<1x128xi32, #tpu.memory_space<vmem>>
      %dma_start3A_24 = tpu.memref_squeeze %dma_start3A_23 : memref<1x128xi32, #tpu.memory_space<vmem>> -> memref<128xi32, #tpu.memory_space<vmem>>
      %dma_start3A_25 = arith.constant 0 : i32
      %dma_start3A_26 = arith.constant 0 : i32
      %dma_start3A_27 = tpu.memref_slice %arg2[%dma_start3A_25, %dma_start3A_26] : memref<10008x128xf32, #tpu.memory_space<hbm>> -> memref<10008x128xf32, #tpu.memory_space<hbm>>
      tpu.enqueue_indirect_dma source(%dma_start3A_27 : memref<10008x128xf32, #tpu.memory_space<hbm>>) target(%arg9 : memref<128x128xf32, #tpu.memory_space<vmem>>) offsets(%dma_start3A_24 : memref<128xi32, #tpu.memory_space<vmem>>) semaphore(%arg11 : memref<!tpu.dma_semaphore, #tpu.memory_space<semaphore_mem>>)
      %dma_wait3A = arith.constant 0 : i32
      %dma_wait3A_28 = tpu.memref_slice %arg7[%scan3A_22, %dma_wait3A] : memref<80x128xi32, #tpu.memory_space<vmem>> -> memref<1x128xi32, #tpu.memory_space<vmem>>
      %dma_wait3A_29 = tpu.memref_squeeze %dma_wait3A_28 : memref<1x128xi32, #tpu.memory_space<vmem>> -> memref<128xi32, #tpu.memory_space<vmem>>
      %dma_wait3A_30 = arith.constant 0 : i32
      %dma_wait3A_31 = arith.constant 0 : i32
      %dma_wait3A_32 = tpu.memref_slice %arg2[%dma_wait3A_30, %dma_wait3A_31] : memref<10008x128xf32, #tpu.memory_space<hbm>> -> memref<10008x128xf32, #tpu.memory_space<hbm>>
      tpu.wait_indirect_dma semaphore(%arg11 : memref<!tpu.dma_semaphore, #tpu.memory_space<semaphore_mem>>) src(%dma_wait3A_32 : memref<10008x128xf32, #tpu.memory_space<hbm>>) dst(%arg9 : memref<128x128xf32, #tpu.memory_space<vmem>>)
      "tpu.region"() ({
        %run_scoped3A = tpu.sem_alloc : memref<!tpu.dma_semaphore, #tpu.memory_space<semaphore_mem>>
        %dma_start3A_33 = arith.constant 0 : i32
        %dma_start3A_34 = tpu.memref_slice %arg8[%scan3A_22, %dma_start3A_33] : memref<80x128xi32, #tpu.memory_space<vmem>> -> memref<1x128xi32, #tpu.memory_space<vmem>>
        %dma_start3A_35 = tpu.memref_squeeze %dma_start3A_34 : memref<1x128xi32, #tpu.memory_space<vmem>> -> memref<128xi32, #tpu.memory_space<vmem>>
        %dma_start3A_36 = arith.constant 0 : i32
        %dma_start3A_37 = arith.constant 0 : i32
        %dma_start3A_38 = tpu.memref_slice %arg10[%dma_start3A_36, %dma_start3A_37] : memref<10008x128xf32, #tpu.memory_space<vmem_shared>> -> memref<10008x128xf32, #tpu.memory_space<vmem_shared>>
        tpu.enqueue_indirect_dma source(%arg9 : memref<128x128xf32, #tpu.memory_space<vmem>>) target(%dma_start3A_38 : memref<10008x128xf32, #tpu.memory_space<vmem_shared>>) offsets(%dma_start3A_35 : memref<128xi32, #tpu.memory_space<vmem>>) semaphore(%run_scoped3A : memref<!tpu.dma_semaphore, #tpu.memory_space<semaphore_mem>>) {add = true}
        %dma_wait3A_39 = arith.constant 0 : i32
        %dma_wait3A_40 = tpu.memref_slice %arg8[%scan3A_22, %dma_wait3A_39] : memref<80x128xi32, #tpu.memory_space<vmem>> -> memref<1x128xi32, #tpu.memory_space<vmem>>
        %dma_wait3A_41 = tpu.memref_squeeze %dma_wait3A_40 : memref<1x128xi32, #tpu.memory_space<vmem>> -> memref<128xi32, #tpu.memory_space<vmem>>
        %dma_wait3A_42 = arith.constant 0 : i32
        %dma_wait3A_43 = arith.constant 0 : i32
        %dma_wait3A_44 = tpu.memref_slice %arg10[%dma_wait3A_42, %dma_wait3A_43] : memref<10008x128xf32, #tpu.memory_space<vmem_shared>> -> memref<10008x128xf32, #tpu.memory_space<vmem_shared>>
        tpu.wait_indirect_dma semaphore(%run_scoped3A : memref<!tpu.dma_semaphore, #tpu.memory_space<semaphore_mem>>) src(%arg9 : memref<128x128xf32, #tpu.memory_space<vmem>>) dst(%dma_wait3A_44 : memref<10008x128xf32, #tpu.memory_space<vmem_shared>>)
        tpu.yield
      }) : () -> ()
    }
    %scan3A_11 = arith.constant 80 : i32
    %barrier3A_12 = arith.constant 0 : index
    tpu.barrier barrier_id(%barrier3A_12)
    %mul3A_13 = arith.constant 624 : i32
    %mul3A_14 = arith.muli %arg1, %mul3A_13 : i32
    %mul3A_15 = arith.constant 624 : i32
    %mul3A_16 = arith.muli %arg1, %mul3A_15 : i32
    "tpu.region"() ({
      %run_scoped3A = tpu.sem_alloc : memref<!tpu.dma_semaphore, #tpu.memory_space<semaphore_mem>>
      %dma_start3A = arith.constant 0 : i32
      %dma_start3A_22 = tpu.memref_slice %arg6[%arg0, %mul3A_16, %dma_start3A] : memref<2x10008x128xf32, #tpu.memory_space<hbm>> -> memref<1x624x128xf32, #tpu.memory_space<hbm>>
      %dma_start3A_23 = tpu.memref_squeeze %dma_start3A_22 : memref<1x624x128xf32, #tpu.memory_space<hbm>> -> memref<624x128xf32, #tpu.memory_space<hbm>>
      %dma_start3A_24 = arith.constant 0 : i32
      %dma_start3A_25 = tpu.memref_slice %arg10[%mul3A_14, %dma_start3A_24] : memref<10008x128xf32, #tpu.memory_space<vmem_shared>> -> memref<624x128xf32, #tpu.memory_space<vmem_shared>>
      tpu.enqueue_dma source(%dma_start3A_25 : memref<624x128xf32, #tpu.memory_space<vmem_shared>>) target(%dma_start3A_23 : memref<624x128xf32, #tpu.memory_space<hbm>>) target_semaphore(%run_scoped3A : memref<!tpu.dma_semaphore, #tpu.memory_space<semaphore_mem>>)
      %dma_wait3A = arith.constant 0 : i32
      %dma_wait3A_26 = tpu.memref_slice %arg6[%arg0, %mul3A_16, %dma_wait3A] : memref<2x10008x128xf32, #tpu.memory_space<hbm>> -> memref<1x624x128xf32, #tpu.memory_space<hbm>>
      %dma_wait3A_27 = tpu.memref_squeeze %dma_wait3A_26 : memref<1x624x128xf32, #tpu.memory_space<hbm>> -> memref<624x128xf32, #tpu.memory_space<hbm>>
      %dma_wait3A_28 = arith.constant 0 : i32
      %dma_wait3A_29 = tpu.memref_slice %arg10[%mul3A_14, %dma_wait3A_28] : memref<10008x128xf32, #tpu.memory_space<vmem_shared>> -> memref<624x128xf32, #tpu.memory_space<vmem_shared>>
      tpu.wait_dma2 semaphore(%run_scoped3A : memref<!tpu.dma_semaphore, #tpu.memory_space<semaphore_mem>>) src(%dma_wait3A_29 : memref<624x128xf32, #tpu.memory_space<vmem_shared>>) dst(%dma_wait3A_27 : memref<624x128xf32, #tpu.memory_space<hbm>>)
      tpu.yield
    }) : () -> ()
    %eq3A_17 = arith.constant 0 : i32
    %eq3A_18 = arith.cmpi eq, %arg1, %eq3A_17 : i32
    %convert_element_type3A_19 = arith.extui %eq3A_18 : i1 to i32
    %cond3A_20 = arith.constant 0 : i32
    %cond3A_21 = arith.cmpi ne, %convert_element_type3A_19, %cond3A_20 : i32
    scf.if %cond3A_21 {
      "tpu.region"() ({
        %run_scoped3A = tpu.sem_alloc : memref<!tpu.dma_semaphore, #tpu.memory_space<semaphore_mem>>
        %dma_start3A = arith.constant 9984 : i32
        %dma_start3A_22 = arith.constant 0 : i32
        %dma_start3A_23 = tpu.memref_slice %arg6[%arg0, %dma_start3A, %dma_start3A_22] : memref<2x10008x128xf32, #tpu.memory_space<hbm>> -> memref<1x24x128xf32, #tpu.memory_space<hbm>>
        %dma_start3A_24 = tpu.memref_squeeze %dma_start3A_23 : memref<1x24x128xf32, #tpu.memory_space<hbm>> -> memref<24x128xf32, #tpu.memory_space<hbm>>
        %dma_start3A_25 = arith.constant 9984 : i32
        %dma_start3A_26 = arith.constant 0 : i32
        %dma_start3A_27 = tpu.memref_slice %arg10[%dma_start3A_25, %dma_start3A_26] : memref<10008x128xf32, #tpu.memory_space<vmem_shared>> -> memref<24x128xf32, #tpu.memory_space<vmem_shared>>
        tpu.enqueue_dma source(%dma_start3A_27 : memref<24x128xf32, #tpu.memory_space<vmem_shared>>) target(%dma_start3A_24 : memref<24x128xf32, #tpu.memory_space<hbm>>) target_semaphore(%run_scoped3A : memref<!tpu.dma_semaphore, #tpu.memory_space<semaphore_mem>>)
        %dma_wait3A = arith.constant 9984 : i32
        %dma_wait3A_28 = arith.constant 0 : i32
        %dma_wait3A_29 = tpu.memref_slice %arg6[%arg0, %dma_wait3A, %dma_wait3A_28] : memref<2x10008x128xf32, #tpu.memory_space<hbm>> -> memref<1x24x128xf32, #tpu.memory_space<hbm>>
        %dma_wait3A_30 = tpu.memref_squeeze %dma_wait3A_29 : memref<1x24x128xf32, #tpu.memory_space<hbm>> -> memref<24x128xf32, #tpu.memory_space<hbm>>
        %dma_wait3A_31 = arith.constant 9984 : i32
        %dma_wait3A_32 = arith.constant 0 : i32
        %dma_wait3A_33 = tpu.memref_slice %arg10[%dma_wait3A_31, %dma_wait3A_32] : memref<10008x128xf32, #tpu.memory_space<vmem_shared>> -> memref<24x128xf32, #tpu.memory_space<vmem_shared>>
        tpu.wait_dma2 semaphore(%run_scoped3A : memref<!tpu.dma_semaphore, #tpu.memory_space<semaphore_mem>>) src(%dma_wait3A_33 : memref<24x128xf32, #tpu.memory_space<vmem_shared>>) dst(%dma_wait3A_30 : memref<24x128xf32, #tpu.memory_space<hbm>>)
        tpu.yield
      }) : () -> ()
    } else {
    }
    return
  }
}

#map = affine_map<(d0, d1) -> (0, 0)>
#map1 = affine_map<(d0, d1) -> (0, 0, 0)>
module attributes {stable_mosaic.version = 14 : i64} {
  func.func @sc_agg(%arg0: i32, %arg1: i32, %arg2: memref<10008x128xf32, #tpu.memory_space<hbm>>, %arg3: memref<32x80x128xi32, #tpu.memory_space<hbm>>, %arg4: memref<32x80x128xi32, #tpu.memory_space<hbm>>, %arg5: memref<10008x128xf32, #tpu.memory_space<hbm>>, %arg6: memref<2x10008x128xf32, #tpu.memory_space<hbm>>, %arg7: memref<80x128xi32, #tpu.memory_space<vmem>>, %arg8: memref<80x128xi32, #tpu.memory_space<vmem>>, %arg9: memref<128x128xf32, #tpu.memory_space<vmem>>, %arg10: memref<10008x128xf32, #tpu.memory_space<vmem_shared>>, %arg11: memref<!tpu.dma_semaphore, #tpu.memory_space<semaphore_mem>>) attributes {dimension_semantics = [#tpu.dimension_semantics<core_parallel>, #tpu.dimension_semantics<subcore_parallel>], iteration_bounds = array<i64: 2, 16>, scalar_prefetch = 0 : i64, scratch_operands = 5 : i64, tpu.core_type = #tpu.core_type<sc_vector_subcore>, window_params = [{transform_indices = #map}, {transform_indices = #map1}, {transform_indices = #map1}, {transform_indices = #map}, {transform_indices = #map1}]} {
    %mul3A = arith.constant 2 : i32
    %mul3A_0 = arith.muli %arg1, %mul3A : i32
    %add3A = arith.addi %mul3A_0, %arg0 : i32
    %mul3A_1 = arith.constant 624 : i32
    %mul3A_2 = arith.muli %arg1, %mul3A_1 : i32
    %mul3A_3 = arith.constant 624 : i32
    %mul3A_4 = arith.muli %arg1, %mul3A_3 : i32
    "tpu.region"() ({
      %run_scoped3A = tpu.sem_alloc : memref<!tpu.dma_semaphore, #tpu.memory_space<semaphore_mem>>
      %dma_start3A = arith.constant 0 : i32
      %dma_start3A_22 = tpu.memref_slice %arg10[%mul3A_4, %dma_start3A] : memref<10008x128xf32, #tpu.memory_space<vmem_shared>> -> memref<624x128xf32, #tpu.memory_space<vmem_shared>>
      %dma_start3A_23 = arith.constant 0 : i32
      %dma_start3A_24 = tpu.memref_slice %arg5[%mul3A_2, %dma_start3A_23] : memref<10008x128xf32, #tpu.memory_space<hbm>> -> memref<624x128xf32, #tpu.memory_space<hbm>>
      tpu.enqueue_dma source(%dma_start3A_24 : memref<624x128xf32, #tpu.memory_space<hbm>>) target(%dma_start3A_22 : memref<624x128xf32, #tpu.memory_space<vmem_shared>>) target_semaphore(%run_scoped3A : memref<!tpu.dma_semaphore, #tpu.memory_space<semaphore_mem>>)
      %dma_wait3A = arith.constant 0 : i32
      %dma_wait3A_25 = tpu.memref_slice %arg10[%mul3A_4, %dma_wait3A] : memref<10008x128xf32, #tpu.memory_space<vmem_shared>> -> memref<624x128xf32, #tpu.memory_space<vmem_shared>>
      %dma_wait3A_26 = arith.constant 0 : i32
      %dma_wait3A_27 = tpu.memref_slice %arg5[%mul3A_2, %dma_wait3A_26] : memref<10008x128xf32, #tpu.memory_space<hbm>> -> memref<624x128xf32, #tpu.memory_space<hbm>>
      tpu.wait_dma2 semaphore(%run_scoped3A : memref<!tpu.dma_semaphore, #tpu.memory_space<semaphore_mem>>) src(%dma_wait3A_27 : memref<624x128xf32, #tpu.memory_space<hbm>>) dst(%dma_wait3A_25 : memref<624x128xf32, #tpu.memory_space<vmem_shared>>)
      tpu.yield
    }) : () -> ()
    %eq3A = arith.constant 0 : i32
    %eq3A_5 = arith.cmpi eq, %arg1, %eq3A : i32
    %convert_element_type3A = arith.extui %eq3A_5 : i1 to i32
    %cond3A = arith.constant 0 : i32
    %cond3A_6 = arith.cmpi ne, %convert_element_type3A, %cond3A : i32
    scf.if %cond3A_6 {
      "tpu.region"() ({
        %run_scoped3A = tpu.sem_alloc : memref<!tpu.dma_semaphore, #tpu.memory_space<semaphore_mem>>
        %dma_start3A = arith.constant 9984 : i32
        %dma_start3A_22 = arith.constant 0 : i32
        %dma_start3A_23 = tpu.memref_slice %arg10[%dma_start3A, %dma_start3A_22] : memref<10008x128xf32, #tpu.memory_space<vmem_shared>> -> memref<24x128xf32, #tpu.memory_space<vmem_shared>>
        %dma_start3A_24 = arith.constant 9984 : i32
        %dma_start3A_25 = arith.constant 0 : i32
        %dma_start3A_26 = tpu.memref_slice %arg5[%dma_start3A_24, %dma_start3A_25] : memref<10008x128xf32, #tpu.memory_space<hbm>> -> memref<24x128xf32, #tpu.memory_space<hbm>>
        tpu.enqueue_dma source(%dma_start3A_26 : memref<24x128xf32, #tpu.memory_space<hbm>>) target(%dma_start3A_23 : memref<24x128xf32, #tpu.memory_space<vmem_shared>>) target_semaphore(%run_scoped3A : memref<!tpu.dma_semaphore, #tpu.memory_space<semaphore_mem>>)
        %dma_wait3A = arith.constant 9984 : i32
        %dma_wait3A_27 = arith.constant 0 : i32
        %dma_wait3A_28 = tpu.memref_slice %arg10[%dma_wait3A, %dma_wait3A_27] : memref<10008x128xf32, #tpu.memory_space<vmem_shared>> -> memref<24x128xf32, #tpu.memory_space<vmem_shared>>
        %dma_wait3A_29 = arith.constant 9984 : i32
        %dma_wait3A_30 = arith.constant 0 : i32
        %dma_wait3A_31 = tpu.memref_slice %arg5[%dma_wait3A_29, %dma_wait3A_30] : memref<10008x128xf32, #tpu.memory_space<hbm>> -> memref<24x128xf32, #tpu.memory_space<hbm>>
        tpu.wait_dma2 semaphore(%run_scoped3A : memref<!tpu.dma_semaphore, #tpu.memory_space<semaphore_mem>>) src(%dma_wait3A_31 : memref<24x128xf32, #tpu.memory_space<hbm>>) dst(%dma_wait3A_28 : memref<24x128xf32, #tpu.memory_space<vmem_shared>>)
        tpu.yield
      }) : () -> ()
    } else {
    }
    "tpu.region"() ({
      %run_scoped3A = tpu.sem_alloc : memref<!tpu.dma_semaphore, #tpu.memory_space<semaphore_mem>>
      %dma_start3A = arith.constant 0 : i32
      %dma_start3A_22 = arith.constant 0 : i32
      %dma_start3A_23 = tpu.memref_slice %arg3[%add3A, %dma_start3A, %dma_start3A_22] : memref<32x80x128xi32, #tpu.memory_space<hbm>> -> memref<1x80x128xi32, #tpu.memory_space<hbm>>
      %dma_start3A_24 = tpu.memref_squeeze %dma_start3A_23 : memref<1x80x128xi32, #tpu.memory_space<hbm>> -> memref<80x128xi32, #tpu.memory_space<hbm>>
      %dma_start3A_25 = arith.constant 0 : i32
      %dma_start3A_26 = arith.constant 0 : i32
      %dma_start3A_27 = tpu.memref_slice %arg3[%add3A, %dma_start3A_25, %dma_start3A_26] : memref<32x80x128xi32, #tpu.memory_space<hbm>> -> memref<1x80x128xi32, #tpu.memory_space<hbm>>
      %dma_start3A_28 = tpu.memref_squeeze %dma_start3A_27 : memref<1x80x128xi32, #tpu.memory_space<hbm>> -> memref<80x128xi32, #tpu.memory_space<hbm>>
      tpu.enqueue_dma source(%dma_start3A_28 : memref<80x128xi32, #tpu.memory_space<hbm>>) target(%arg7 : memref<80x128xi32, #tpu.memory_space<vmem>>) target_semaphore(%run_scoped3A : memref<!tpu.dma_semaphore, #tpu.memory_space<semaphore_mem>>)
      %dma_wait3A = arith.constant 0 : i32
      %dma_wait3A_29 = arith.constant 0 : i32
      %dma_wait3A_30 = tpu.memref_slice %arg3[%add3A, %dma_wait3A, %dma_wait3A_29] : memref<32x80x128xi32, #tpu.memory_space<hbm>> -> memref<1x80x128xi32, #tpu.memory_space<hbm>>
      %dma_wait3A_31 = tpu.memref_squeeze %dma_wait3A_30 : memref<1x80x128xi32, #tpu.memory_space<hbm>> -> memref<80x128xi32, #tpu.memory_space<hbm>>
      %dma_wait3A_32 = arith.constant 0 : i32
      %dma_wait3A_33 = arith.constant 0 : i32
      %dma_wait3A_34 = tpu.memref_slice %arg3[%add3A, %dma_wait3A_32, %dma_wait3A_33] : memref<32x80x128xi32, #tpu.memory_space<hbm>> -> memref<1x80x128xi32, #tpu.memory_space<hbm>>
      %dma_wait3A_35 = tpu.memref_squeeze %dma_wait3A_34 : memref<1x80x128xi32, #tpu.memory_space<hbm>> -> memref<80x128xi32, #tpu.memory_space<hbm>>
      tpu.wait_dma2 semaphore(%run_scoped3A : memref<!tpu.dma_semaphore, #tpu.memory_space<semaphore_mem>>) src(%dma_wait3A_35 : memref<80x128xi32, #tpu.memory_space<hbm>>) dst(%arg7 : memref<80x128xi32, #tpu.memory_space<vmem>>)
      tpu.yield
    }) : () -> ()
    "tpu.region"() ({
      %run_scoped3A = tpu.sem_alloc : memref<!tpu.dma_semaphore, #tpu.memory_space<semaphore_mem>>
      %dma_start3A = arith.constant 0 : i32
      %dma_start3A_22 = arith.constant 0 : i32
      %dma_start3A_23 = tpu.memref_slice %arg4[%add3A, %dma_start3A, %dma_start3A_22] : memref<32x80x128xi32, #tpu.memory_space<hbm>> -> memref<1x80x128xi32, #tpu.memory_space<hbm>>
      %dma_start3A_24 = tpu.memref_squeeze %dma_start3A_23 : memref<1x80x128xi32, #tpu.memory_space<hbm>> -> memref<80x128xi32, #tpu.memory_space<hbm>>
      %dma_start3A_25 = arith.constant 0 : i32
      %dma_start3A_26 = arith.constant 0 : i32
      %dma_start3A_27 = tpu.memref_slice %arg4[%add3A, %dma_start3A_25, %dma_start3A_26] : memref<32x80x128xi32, #tpu.memory_space<hbm>> -> memref<1x80x128xi32, #tpu.memory_space<hbm>>
      %dma_start3A_28 = tpu.memref_squeeze %dma_start3A_27 : memref<1x80x128xi32, #tpu.memory_space<hbm>> -> memref<80x128xi32, #tpu.memory_space<hbm>>
      tpu.enqueue_dma source(%dma_start3A_28 : memref<80x128xi32, #tpu.memory_space<hbm>>) target(%arg8 : memref<80x128xi32, #tpu.memory_space<vmem>>) target_semaphore(%run_scoped3A : memref<!tpu.dma_semaphore, #tpu.memory_space<semaphore_mem>>)
      %dma_wait3A = arith.constant 0 : i32
      %dma_wait3A_29 = arith.constant 0 : i32
      %dma_wait3A_30 = tpu.memref_slice %arg4[%add3A, %dma_wait3A, %dma_wait3A_29] : memref<32x80x128xi32, #tpu.memory_space<hbm>> -> memref<1x80x128xi32, #tpu.memory_space<hbm>>
      %dma_wait3A_31 = tpu.memref_squeeze %dma_wait3A_30 : memref<1x80x128xi32, #tpu.memory_space<hbm>> -> memref<80x128xi32, #tpu.memory_space<hbm>>
      %dma_wait3A_32 = arith.constant 0 : i32
      %dma_wait3A_33 = arith.constant 0 : i32
      %dma_wait3A_34 = tpu.memref_slice %arg4[%add3A, %dma_wait3A_32, %dma_wait3A_33] : memref<32x80x128xi32, #tpu.memory_space<hbm>> -> memref<1x80x128xi32, #tpu.memory_space<hbm>>
      %dma_wait3A_35 = tpu.memref_squeeze %dma_wait3A_34 : memref<1x80x128xi32, #tpu.memory_space<hbm>> -> memref<80x128xi32, #tpu.memory_space<hbm>>
      tpu.wait_dma2 semaphore(%run_scoped3A : memref<!tpu.dma_semaphore, #tpu.memory_space<semaphore_mem>>) src(%dma_wait3A_35 : memref<80x128xi32, #tpu.memory_space<hbm>>) dst(%arg8 : memref<80x128xi32, #tpu.memory_space<vmem>>)
      tpu.yield
    }) : () -> ()
    %barrier3A = arith.constant 0 : index
    tpu.barrier barrier_id(%barrier3A)
    %scan3A = arith.constant 0 : i32
    %scan3A_7 = arith.constant 0 : i32
    %scan3A_8 = arith.constant 80 : i32
    %scan3A_9 = arith.addi %scan3A_7, %scan3A_8 : i32
    %scan3A_10 = arith.constant 1 : i32
    scf.for %scan3A_22 = %scan3A_7 to %scan3A_9 step %scan3A_10  : i32 {
      %dma_start3A = arith.constant 0 : i32
      %dma_start3A_23 = tpu.memref_slice %arg7[%scan3A_22, %dma_start3A] : memref<80x128xi32, #tpu.memory_space<vmem>> -> memref<1x128xi32, #tpu.memory_space<vmem>>
      %dma_start3A_24 = tpu.memref_squeeze %dma_start3A_23 : memref<1x128xi32, #tpu.memory_space<vmem>> -> memref<128xi32, #tpu.memory_space<vmem>>
      %dma_start3A_25 = arith.constant 0 : i32
      %dma_start3A_26 = arith.constant 0 : i32
      %dma_start3A_27 = tpu.memref_slice %arg2[%dma_start3A_25, %dma_start3A_26] : memref<10008x128xf32, #tpu.memory_space<hbm>> -> memref<10008x128xf32, #tpu.memory_space<hbm>>
      tpu.enqueue_indirect_dma source(%dma_start3A_27 : memref<10008x128xf32, #tpu.memory_space<hbm>>) target(%arg9 : memref<128x128xf32, #tpu.memory_space<vmem>>) offsets(%dma_start3A_24 : memref<128xi32, #tpu.memory_space<vmem>>) semaphore(%arg11 : memref<!tpu.dma_semaphore, #tpu.memory_space<semaphore_mem>>)
      %dma_wait3A = arith.constant 0 : i32
      %dma_wait3A_28 = tpu.memref_slice %arg7[%scan3A_22, %dma_wait3A] : memref<80x128xi32, #tpu.memory_space<vmem>> -> memref<1x128xi32, #tpu.memory_space<vmem>>
      %dma_wait3A_29 = tpu.memref_squeeze %dma_wait3A_28 : memref<1x128xi32, #tpu.memory_space<vmem>> -> memref<128xi32, #tpu.memory_space<vmem>>
      %dma_wait3A_30 = arith.constant 0 : i32
      %dma_wait3A_31 = arith.constant 0 : i32
      %dma_wait3A_32 = tpu.memref_slice %arg2[%dma_wait3A_30, %dma_wait3A_31] : memref<10008x128xf32, #tpu.memory_space<hbm>> -> memref<10008x128xf32, #tpu.memory_space<hbm>>
      tpu.wait_indirect_dma semaphore(%arg11 : memref<!tpu.dma_semaphore, #tpu.memory_space<semaphore_mem>>) src(%dma_wait3A_32 : memref<10008x128xf32, #tpu.memory_space<hbm>>) dst(%arg9 : memref<128x128xf32, #tpu.memory_space<vmem>>)
      "tpu.region"() ({
        %run_scoped3A = tpu.sem_alloc : memref<!tpu.dma_semaphore, #tpu.memory_space<semaphore_mem>>
        %dma_start3A_33 = arith.constant 0 : i32
        %dma_start3A_34 = tpu.memref_slice %arg8[%scan3A_22, %dma_start3A_33] : memref<80x128xi32, #tpu.memory_space<vmem>> -> memref<1x128xi32, #tpu.memory_space<vmem>>
        %dma_start3A_35 = tpu.memref_squeeze %dma_start3A_34 : memref<1x128xi32, #tpu.memory_space<vmem>> -> memref<128xi32, #tpu.memory_space<vmem>>
        %dma_start3A_36 = arith.constant 0 : i32
        %dma_start3A_37 = arith.constant 0 : i32
        %dma_start3A_38 = tpu.memref_slice %arg10[%dma_start3A_36, %dma_start3A_37] : memref<10008x128xf32, #tpu.memory_space<vmem_shared>> -> memref<10008x128xf32, #tpu.memory_space<vmem_shared>>
        tpu.enqueue_indirect_dma source(%arg9 : memref<128x128xf32, #tpu.memory_space<vmem>>) target(%dma_start3A_38 : memref<10008x128xf32, #tpu.memory_space<vmem_shared>>) offsets(%dma_start3A_35 : memref<128xi32, #tpu.memory_space<vmem>>) semaphore(%run_scoped3A : memref<!tpu.dma_semaphore, #tpu.memory_space<semaphore_mem>>) {add = true}
        %dma_wait3A_39 = arith.constant 0 : i32
        %dma_wait3A_40 = tpu.memref_slice %arg8[%scan3A_22, %dma_wait3A_39] : memref<80x128xi32, #tpu.memory_space<vmem>> -> memref<1x128xi32, #tpu.memory_space<vmem>>
        %dma_wait3A_41 = tpu.memref_squeeze %dma_wait3A_40 : memref<1x128xi32, #tpu.memory_space<vmem>> -> memref<128xi32, #tpu.memory_space<vmem>>
        %dma_wait3A_42 = arith.constant 0 : i32
        %dma_wait3A_43 = arith.constant 0 : i32
        %dma_wait3A_44 = tpu.memref_slice %arg10[%dma_wait3A_42, %dma_wait3A_43] : memref<10008x128xf32, #tpu.memory_space<vmem_shared>> -> memref<10008x128xf32, #tpu.memory_space<vmem_shared>>
        tpu.wait_indirect_dma semaphore(%run_scoped3A : memref<!tpu.dma_semaphore, #tpu.memory_space<semaphore_mem>>) src(%arg9 : memref<128x128xf32, #tpu.memory_space<vmem>>) dst(%dma_wait3A_44 : memref<10008x128xf32, #tpu.memory_space<vmem_shared>>)
        tpu.yield
      }) : () -> ()
    }
    %scan3A_11 = arith.constant 80 : i32
    %barrier3A_12 = arith.constant 0 : index
    tpu.barrier barrier_id(%barrier3A_12)
    %mul3A_13 = arith.constant 624 : i32
    %mul3A_14 = arith.muli %arg1, %mul3A_13 : i32
    %mul3A_15 = arith.constant 624 : i32
    %mul3A_16 = arith.muli %arg1, %mul3A_15 : i32
    "tpu.region"() ({
      %run_scoped3A = tpu.sem_alloc : memref<!tpu.dma_semaphore, #tpu.memory_space<semaphore_mem>>
      %dma_start3A = arith.constant 0 : i32
      %dma_start3A_22 = tpu.memref_slice %arg6[%arg0, %mul3A_16, %dma_start3A] : memref<2x10008x128xf32, #tpu.memory_space<hbm>> -> memref<1x624x128xf32, #tpu.memory_space<hbm>>
      %dma_start3A_23 = tpu.memref_squeeze %dma_start3A_22 : memref<1x624x128xf32, #tpu.memory_space<hbm>> -> memref<624x128xf32, #tpu.memory_space<hbm>>
      %dma_start3A_24 = arith.constant 0 : i32
      %dma_start3A_25 = tpu.memref_slice %arg10[%mul3A_14, %dma_start3A_24] : memref<10008x128xf32, #tpu.memory_space<vmem_shared>> -> memref<624x128xf32, #tpu.memory_space<vmem_shared>>
      tpu.enqueue_dma source(%dma_start3A_25 : memref<624x128xf32, #tpu.memory_space<vmem_shared>>) target(%dma_start3A_23 : memref<624x128xf32, #tpu.memory_space<hbm>>) target_semaphore(%run_scoped3A : memref<!tpu.dma_semaphore, #tpu.memory_space<semaphore_mem>>)
      %dma_wait3A = arith.constant 0 : i32
      %dma_wait3A_26 = tpu.memref_slice %arg6[%arg0, %mul3A_16, %dma_wait3A] : memref<2x10008x128xf32, #tpu.memory_space<hbm>> -> memref<1x624x128xf32, #tpu.memory_space<hbm>>
      %dma_wait3A_27 = tpu.memref_squeeze %dma_wait3A_26 : memref<1x624x128xf32, #tpu.memory_space<hbm>> -> memref<624x128xf32, #tpu.memory_space<hbm>>
      %dma_wait3A_28 = arith.constant 0 : i32
      %dma_wait3A_29 = tpu.memref_slice %arg10[%mul3A_14, %dma_wait3A_28] : memref<10008x128xf32, #tpu.memory_space<vmem_shared>> -> memref<624x128xf32, #tpu.memory_space<vmem_shared>>
      tpu.wait_dma2 semaphore(%run_scoped3A : memref<!tpu.dma_semaphore, #tpu.memory_space<semaphore_mem>>) src(%dma_wait3A_29 : memref<624x128xf32, #tpu.memory_space<vmem_shared>>) dst(%dma_wait3A_27 : memref<624x128xf32, #tpu.memory_space<hbm>>)
      tpu.yield
    }) : () -> ()
    %eq3A_17 = arith.constant 0 : i32
    %eq3A_18 = arith.cmpi eq, %arg1, %eq3A_17 : i32
    %convert_element_type3A_19 = arith.extui %eq3A_18 : i1 to i32
    %cond3A_20 = arith.constant 0 : i32
    %cond3A_21 = arith.cmpi ne, %convert_element_type3A_19, %cond3A_20 : i32
    scf.if %cond3A_21 {
      "tpu.region"() ({
        %run_scoped3A = tpu.sem_alloc : memref<!tpu.dma_semaphore, #tpu.memory_space<semaphore_mem>>
        %dma_start3A = arith.constant 9984 : i32
        %dma_start3A_22 = arith.constant 0 : i32
        %dma_start3A_23 = tpu.memref_slice %arg6[%arg0, %dma_start3A, %dma_start3A_22] : memref<2x10008x128xf32, #tpu.memory_space<hbm>> -> memref<1x24x128xf32, #tpu.memory_space<hbm>>
        %dma_start3A_24 = tpu.memref_squeeze %dma_start3A_23 : memref<1x24x128xf32, #tpu.memory_space<hbm>> -> memref<24x128xf32, #tpu.memory_space<hbm>>
        %dma_start3A_25 = arith.constant 9984 : i32
        %dma_start3A_26 = arith.constant 0 : i32
        %dma_start3A_27 = tpu.memref_slice %arg10[%dma_start3A_25, %dma_start3A_26] : memref<10008x128xf32, #tpu.memory_space<vmem_shared>> -> memref<24x128xf32, #tpu.memory_space<vmem_shared>>
        tpu.enqueue_dma source(%dma_start3A_27 : memref<24x128xf32, #tpu.memory_space<vmem_shared>>) target(%dma_start3A_24 : memref<24x128xf32, #tpu.memory_space<hbm>>) target_semaphore(%run_scoped3A : memref<!tpu.dma_semaphore, #tpu.memory_space<semaphore_mem>>)
        %dma_wait3A = arith.constant 9984 : i32
        %dma_wait3A_28 = arith.constant 0 : i32
        %dma_wait3A_29 = tpu.memref_slice %arg6[%arg0, %dma_wait3A, %dma_wait3A_28] : memref<2x10008x128xf32, #tpu.memory_space<hbm>> -> memref<1x24x128xf32, #tpu.memory_space<hbm>>
        %dma_wait3A_30 = tpu.memref_squeeze %dma_wait3A_29 : memref<1x24x128xf32, #tpu.memory_space<hbm>> -> memref<24x128xf32, #tpu.memory_space<hbm>>
        %dma_wait3A_31 = arith.constant 9984 : i32
        %dma_wait3A_32 = arith.constant 0 : i32
        %dma_wait3A_33 = tpu.memref_slice %arg10[%dma_wait3A_31, %dma_wait3A_32] : memref<10008x128xf32, #tpu.memory_space<vmem_shared>> -> memref<24x128xf32, #tpu.memory_space<vmem_shared>>
        tpu.wait_dma2 semaphore(%run_scoped3A : memref<!tpu.dma_semaphore, #tpu.memory_space<semaphore_mem>>) src(%dma_wait3A_33 : memref<24x128xf32, #tpu.memory_space<vmem_shared>>) dst(%dma_wait3A_30 : memref<24x128xf32, #tpu.memory_space<hbm>>)
        tpu.yield
      }) : () -> ()
    } else {
    }
    return
  }
}

module attributes {stable_mosaic.version = 14 : i64} {
  func.func @_proj1_body(%arg0: memref<10000x128xf32, #tpu.memory_space<vmem>>, %arg1: memref<128x64xf32, #tpu.memory_space<vmem>>, %arg2: memref<10008x128xf32, #tpu.memory_space<vmem>>) attributes {dimension_semantics = [], scalar_prefetch = 0 : i64, scratch_operands = 0 : i64, tpu.core_type = #tpu.core_type<tc>} {
    %get3A = arith.constant 0 : index
    %get3A_0 = arith.constant 0 : index
    %get3A_1 = vector.load %arg0[%get3A, %get3A_0] : memref<10000x128xf32, #tpu.memory_space<vmem>>, vector<10000x128xf32>
    %get3A_2 = arith.constant 0 : index
    %get3A_3 = arith.constant 0 : index
    %get3A_4 = vector.load %arg1[%get3A_2, %get3A_3] : memref<128x64xf32, #tpu.memory_space<vmem>>, vector<128x64xf32>
    %dot_general3A = arith.constant dense<0.000000e+00> : vector<10000x64xf32>
    %dot_general3A_5 = tpu.matmul %get3A_1, %get3A_4, %dot_general3A {dimension_numbers = #tpu.dot_dimension_numbers<[1], [0], [0], [1], [0, 0, 1, 1], [], []>, transpose_lhs_hint = false} : vector<10000x128xf32>, vector<128x64xf32>, vector<10000x64xf32> -> vector<10000x64xf32>
    %broadcast_in_dim3A = arith.constant 1.000000e+00 : f32
    %broadcast_in_dim3A_6 = vector.broadcast %broadcast_in_dim3A : f32 to vector<10000x1xf32>
    %broadcast_in_dim3A_7 = arith.constant 0.000000e+00 : f32
    %broadcast_in_dim3A_8 = vector.broadcast %broadcast_in_dim3A_7 : f32 to vector<10000x63xf32>
    %broadcast_in_dim3A_9 = arith.constant 0.000000e+00 : f32
    %broadcast_in_dim3A_10 = vector.broadcast %broadcast_in_dim3A_9 : f32 to vector<8x128xf32>
    %concatenate3A = tpu.concatenate %dot_general3A_5, %broadcast_in_dim3A_6, %broadcast_in_dim3A_8 in 1 : vector<10000x64xf32>, vector<10000x1xf32>, vector<10000x63xf32> -> vector<10000x128xf32>
    %concatenate3A_11 = tpu.concatenate %concatenate3A, %broadcast_in_dim3A_10 in 0 : vector<10000x128xf32>, vector<8x128xf32> -> vector<10008x128xf32>
    %swap3A = arith.constant 0 : index
    %swap3A_12 = arith.constant 0 : index
    %swap3A_13 = vector.load %arg2[%swap3A, %swap3A_12] : memref<10008x128xf32, #tpu.memory_space<vmem>>, vector<10008x128xf32>
    tpu.vector_store %arg2[%swap3A, %swap3A_12], %concatenate3A_11 {strides = array<i32>} : memref<10008x128xf32, #tpu.memory_space<vmem>>, vector<10008x128xf32>,
    return
  }
}

module attributes {stable_mosaic.version = 14 : i64} {
  func.func @_mid_body(%arg0: memref<2x10008x128xf32, #tpu.memory_space<vmem>>, %arg1: memref<10000x128xf32, #tpu.memory_space<vmem>>, %arg2: memref<128x64xf32, #tpu.memory_space<vmem>>, %arg3: memref<1x64xf32, #tpu.memory_space<vmem>>, %arg4: memref<10008x128xf32, #tpu.memory_space<vmem>>) attributes {dimension_semantics = [], scalar_prefetch = 0 : i64, scratch_operands = 0 : i64, tpu.core_type = #tpu.core_type<tc>} {
    %get3A = arith.constant 0 : index
    %get3A_0 = arith.constant 0 : index
    %get3A_1 = arith.constant 0 : index
    %get3A_2 = vector.load %arg0[%get3A, %get3A_0, %get3A_1] : memref<2x10008x128xf32, #tpu.memory_space<vmem>>, vector<1x10008x128xf32>
    %get3A_3 = vector.shape_cast %get3A_2 : vector<1x10008x128xf32> to vector<10008x128xf32>
    %get3A_4 = arith.constant 1 : index
    %get3A_5 = arith.constant 0 : index
    %get3A_6 = arith.constant 0 : index
    %get3A_7 = vector.load %arg0[%get3A_4, %get3A_5, %get3A_6] : memref<2x10008x128xf32, #tpu.memory_space<vmem>>, vector<1x10008x128xf32>
    %get3A_8 = vector.shape_cast %get3A_7 : vector<1x10008x128xf32> to vector<10008x128xf32>
    %add3A = arith.addf %get3A_3, %get3A_8 : vector<10008x128xf32>
    %slice3A = vector.extract_strided_slice %add3A {offsets = [0, 0], sizes = [10000, 128], strides = [1, 1]} : vector<10008x128xf32> to vector<10000x128xf32>
    %slice3A_9 = vector.extract_strided_slice %slice3A {offsets = [0, 64], sizes = [10000, 1], strides = [1, 1]} : vector<10000x128xf32> to vector<10000x1xf32>
    %slice3A_10 = vector.extract_strided_slice %slice3A {offsets = [0, 0], sizes = [10000, 64], strides = [1, 1]} : vector<10000x128xf32> to vector<10000x64xf32>
    %jit3A = arith.constant 1.000000e+00 : f32
    %max3A = vector.broadcast %jit3A : f32 to vector<10000x1xf32>
    %max3A_11 = arith.maximumf %max3A, %slice3A_9 : vector<10000x1xf32>
    %div3A = vector.broadcast %max3A_11 : vector<10000x1xf32> to vector<10000x64xf32>
    %div3A_12 = arith.divf %slice3A_10, %div3A : vector<10000x64xf32>
    %get3A_13 = arith.constant 0 : index
    %get3A_14 = arith.constant 0 : index
    %get3A_15 = vector.load %arg1[%get3A_13, %get3A_14] : memref<10000x128xf32, #tpu.memory_space<vmem>>, vector<10000x128xf32>
    %get3A_16 = arith.constant 0 : index
    %get3A_17 = arith.constant 0 : index
    %get3A_18 = vector.load %arg2[%get3A_16, %get3A_17] : memref<128x64xf32, #tpu.memory_space<vmem>>, vector<128x64xf32>
    %dot_general3A = arith.constant dense<0.000000e+00> : vector<10000x64xf32>
    %dot_general3A_19 = tpu.matmul %get3A_15, %get3A_18, %dot_general3A {dimension_numbers = #tpu.dot_dimension_numbers<[1], [0], [0], [1], [0, 0, 1, 1], [], []>, transpose_lhs_hint = false} : vector<10000x128xf32>, vector<128x64xf32>, vector<10000x64xf32> -> vector<10000x64xf32>
    %add3A_20 = arith.addf %div3A_12, %dot_general3A_19 : vector<10000x64xf32>
    %get3A_21 = arith.constant 0 : index
    %get3A_22 = arith.constant 0 : index
    %get3A_23 = vector.load %arg3[%get3A_21, %get3A_22] : memref<1x64xf32, #tpu.memory_space<vmem>>, vector<1x64xf32>
    %add3A_24 = vector.broadcast %get3A_23 : vector<1x64xf32> to vector<10000x64xf32>
    %add3A_25 = arith.addf %add3A_20, %add3A_24 : vector<10000x64xf32>
    %max3A_26 = arith.constant 0.000000e+00 : f32
    %max3A_27 = vector.broadcast %max3A_26 : f32 to vector<10000x64xf32>
    %max3A_28 = arith.maximumf %add3A_25, %max3A_27 : vector<10000x64xf32>
    %broadcast_in_dim3A = arith.constant 1.000000e+00 : f32
    %broadcast_in_dim3A_29 = vector.broadcast %broadcast_in_dim3A : f32 to vector<10000x1xf32>
    %broadcast_in_dim3A_30 = arith.constant 0.000000e+00 : f32
    %broadcast_in_dim3A_31 = vector.broadcast %broadcast_in_dim3A_30 : f32 to vector<10000x63xf32>
    %broadcast_in_dim3A_32 = arith.constant 0.000000e+00 : f32
    %broadcast_in_dim3A_33 = vector.broadcast %broadcast_in_dim3A_32 : f32 to vector<8x128xf32>
    %concatenate3A = tpu.concatenate %max3A_28, %broadcast_in_dim3A_29, %broadcast_in_dim3A_31 in 1 : vector<10000x64xf32>, vector<10000x1xf32>, vector<10000x63xf32> -> vector<10000x128xf32>
    %concatenate3A_34 = tpu.concatenate %concatenate3A, %broadcast_in_dim3A_33 in 0 : vector<10000x128xf32>, vector<8x128xf32> -> vector<10008x128xf32>
    %swap3A = arith.constant 0 : index
    %swap3A_35 = arith.constant 0 : index
    %swap3A_36 = vector.load %arg4[%swap3A, %swap3A_35] : memref<10008x128xf32, #tpu.memory_space<vmem>>, vector<10008x128xf32>
    tpu.vector_store %arg4[%swap3A, %swap3A_35], %concatenate3A_34 {strides = array<i32>} : memref<10008x128xf32, #tpu.memory_space<vmem>>, vector<10008x128xf32>,
    return
  }
}

module attributes {stable_mosaic.version = 14 : i64} {
  func.func @_final_body(%arg0: memref<2x10008x128xf32, #tpu.memory_space<vmem>>, %arg1: memref<10008x128xf32, #tpu.memory_space<vmem>>, %arg2: memref<64x128xf32, #tpu.memory_space<vmem>>, %arg3: memref<64x128xf32, #tpu.memory_space<vmem>>, %arg4: memref<1x128xf32, #tpu.memory_space<vmem>>, %arg5: memref<10000x128xf32, #tpu.memory_space<vmem>>) attributes {dimension_semantics = [], scalar_prefetch = 0 : i64, scratch_operands = 0 : i64, tpu.core_type = #tpu.core_type<tc>} {
    %get3A = arith.constant 0 : index
    %get3A_0 = arith.constant 0 : index
    %get3A_1 = arith.constant 0 : index
    %get3A_2 = vector.load %arg0[%get3A, %get3A_0, %get3A_1] : memref<2x10008x128xf32, #tpu.memory_space<vmem>>, vector<1x10008x128xf32>
    %get3A_3 = vector.shape_cast %get3A_2 : vector<1x10008x128xf32> to vector<10008x128xf32>
    %get3A_4 = arith.constant 1 : index
    %get3A_5 = arith.constant 0 : index
    %get3A_6 = arith.constant 0 : index
    %get3A_7 = vector.load %arg0[%get3A_4, %get3A_5, %get3A_6] : memref<2x10008x128xf32, #tpu.memory_space<vmem>>, vector<1x10008x128xf32>
    %get3A_8 = vector.shape_cast %get3A_7 : vector<1x10008x128xf32> to vector<10008x128xf32>
    %add3A = arith.addf %get3A_3, %get3A_8 : vector<10008x128xf32>
    %slice3A = vector.extract_strided_slice %add3A {offsets = [0, 0], sizes = [10000, 128], strides = [1, 1]} : vector<10008x128xf32> to vector<10000x128xf32>
    %slice3A_9 = vector.extract_strided_slice %slice3A {offsets = [0, 64], sizes = [10000, 1], strides = [1, 1]} : vector<10000x128xf32> to vector<10000x1xf32>
    %slice3A_10 = vector.extract_strided_slice %slice3A {offsets = [0, 0], sizes = [10000, 64], strides = [1, 1]} : vector<10000x128xf32> to vector<10000x64xf32>
    %jit3A = arith.constant 1.000000e+00 : f32
    %max3A = vector.broadcast %jit3A : f32 to vector<10000x1xf32>
    %max3A_11 = arith.maximumf %max3A, %slice3A_9 : vector<10000x1xf32>
    %div3A = vector.broadcast %max3A_11 : vector<10000x1xf32> to vector<10000x64xf32>
    %div3A_12 = arith.divf %slice3A_10, %div3A : vector<10000x64xf32>
    %get3A_13 = arith.constant 0 : index
    %get3A_14 = arith.constant 0 : index
    %get3A_15 = vector.load %arg2[%get3A_13, %get3A_14] : memref<64x128xf32, #tpu.memory_space<vmem>>, vector<64x128xf32>
    %dot_general3A = arith.constant dense<0.000000e+00> : vector<10000x128xf32>
    %dot_general3A_16 = tpu.matmul %div3A_12, %get3A_15, %dot_general3A {dimension_numbers = #tpu.dot_dimension_numbers<[1], [0], [0], [1], [0, 0, 1, 1], [], []>, transpose_lhs_hint = false} : vector<10000x64xf32>, vector<64x128xf32>, vector<10000x128xf32> -> vector<10000x128xf32>
    %get3A_17 = arith.constant 0 : index
    %get3A_18 = arith.constant 0 : index
    %get3A_19 = vector.load %arg1[%get3A_17, %get3A_18] : memref<10008x128xf32, #tpu.memory_space<vmem>>, vector<10000x64xf32>
    %get3A_20 = arith.constant 0 : index
    %get3A_21 = arith.constant 0 : index
    %get3A_22 = vector.load %arg3[%get3A_20, %get3A_21] : memref<64x128xf32, #tpu.memory_space<vmem>>, vector<64x128xf32>
    %dot_general3A_23 = arith.constant dense<0.000000e+00> : vector<10000x128xf32>
    %dot_general3A_24 = tpu.matmul %get3A_19, %get3A_22, %dot_general3A_23 {dimension_numbers = #tpu.dot_dimension_numbers<[1], [0], [0], [1], [0, 0, 1, 1], [], []>, transpose_lhs_hint = false} : vector<10000x64xf32>, vector<64x128xf32>, vector<10000x128xf32> -> vector<10000x128xf32>
    %add3A_25 = arith.addf %dot_general3A_16, %dot_general3A_24 : vector<10000x128xf32>
    %get3A_26 = arith.constant 0 : index
    %get3A_27 = arith.constant 0 : index
    %get3A_28 = vector.load %arg4[%get3A_26, %get3A_27] : memref<1x128xf32, #tpu.memory_space<vmem>>, vector<1x128xf32>
    %add3A_29 = vector.broadcast %get3A_28 : vector<1x128xf32> to vector<10000x128xf32>
    %add3A_30 = arith.addf %add3A_25, %add3A_29 : vector<10000x128xf32>
    %max3A_31 = arith.constant 0.000000e+00 : f32
    %max3A_32 = vector.broadcast %max3A_31 : f32 to vector<10000x128xf32>
    %max3A_33 = arith.maximumf %add3A_30, %max3A_32 : vector<10000x128xf32>
    %swap3A = arith.constant 0 : index
    %swap3A_34 = arith.constant 0 : index
    %swap3A_35 = vector.load %arg5[%swap3A, %swap3A_34] : memref<10000x128xf32, #tpu.memory_space<vmem>>, vector<10000x128xf32>
    tpu.vector_store %arg5[%swap3A, %swap3A_34], %max3A_33 {strides = array<i32>} : memref<10000x128xf32, #tpu.memory_space<vmem>>, vector<10000x128xf32>,
    return
  }
}

</mosaic_0001>

<sc_bundles>
// kernel: kernel.10.cloned.1.call-start
scs
__scs_entry_jumppad:
0x0: {  	(pc) =	sbr.rel $0x88, $3  }
0x1: {  	(tag) =	ssettag $0x0;
	lr =	simm.s32 $0x1  }
0x2: {  	[smem:$0x3F99] =	sst lr;
	_ =	strace $0xD0000000  }
0x3: {  	_ = 	snop  }
0x4: {  	_ = 	snop  }
0x5: {  	_ = 	snop  }
0x6: {  	_ = 	snop  }
0x7: {  	_ = 	snop  }
__scs_overlays_trampoline_lowered:
0x8: {  	[smem:$0x3FA8] =	sst s0  }
0x9: {  	[smem:$0x3FA9] =	sst s1  }
0xa: {  	[smem:$0x3FAA] =	sst s2  }
0xb: {  	[smem:$0x3FAB] =	sst s3  }
0xc: {  	[smem:$0x3FAC] =	sst s4  }
0xd: {  	[smem:$0x3FAD] =	sst s5  }
0xe: {  	[smem:$0x3FAE] =	sst s6  }
0xf: {  	[smem:$0x3FAF] =	sst s7  }
0x10: {  	[smem:$0x3FB0] =	sst s8  }
0x11: {  	[smem:$0x3FB1] =	sst s9;
	s0 =	simm.s32 @!p0 $0x0  }
0x12: {  	s1 =	sld [smem:$0x3F97];
	s0 =	simm.s32 @p0 $0x1  }
0x13: {  	[smem:$0x3FB2] =	sst s0;
	s0 =	simm.s32 @!p1 $0x0  }
0x14: {  	s2 =	sld [smem:$0x3F96];
	s0 =	simm.s32 @p1 $0x1  }
0x15: {  	[smem:$0x3FB3] =	sst s0;
	s0 =	simm.s32 @!p2 $0x0  }
0x16: {  	s3 =	sld [smem:$0x3FDB];
	s0 =	simm.s32 @p2 $0x1  }
0x17: {  	s4 =	simm.s32 $0x1BF5;
	[smem:$0x3FB5] =	sst s0  }
0x18: {  	s0 =	sld [smem:$0x3F98];
	_ =	swait.ge [sflag:s4], $0x0  }
0x19: {  	s7 =	sld [smem:$0x3F99]  }
0x1a: {  	s8 =	sadd.s32 $0xFFFFE003, lr  }
0x1b: {  	s9 =	sadd.s32 $0xFFFFFEF7, lr;
	s5 =	simm.s32 $0xFFFFFFFF;
	p2 =	slt.u32 s8, $0xFFFFF086  }
0x1c: {  	p1 =	slt.u32 s9, $0xF7A;
	s5 =	simm.s32 @!p2 $0x0  }
0x1d: {  	s5 =	simm.s32 @p1 $0x1;
	p0 =	seq.s32 s7, s2  }
0x1e: {  	s7 =	smul.u32 @!p0 $0xF7A, s2;
	p2 =	seq.s32 @!p0 s5, $0x0  }
0x1f: {  	s9 =	smul.u32 $0xF7A, s1;
	s8 =	simm.s32 @!p0 $0x1BF5;
	p2 =	por !p2, p0  }
0x20: {  	[sflag:s8] =	ssyncset.s32 @!p0 $0xFFFFF086;
	s6 =	sadd.s32 @!p0 s3, s7;
	s7 =	simm.s32 @!p0 $0x108  }
0x21: {  	s3 =	sadd.s32 s3, s9;
	s6 =	sadd.s32 @!p0 $0x88, s6;
	s7 =	simm.s32 @p2 $0x1082  }
0x22: {  	[simem:s7], [sflag:s8] =	dma.local @!p0 [hbm:s6], $0xF7A  }
0x23: {  	s9 =	sor.u32 $0xD0000000, s2;
	s6 =	simm.s32 $0x108;
	_ =	swait.ge @!p0 [sflag:s8], $0x0  }
0x24: {  	s3 =	sadd.s32 $0x88, s3;
	s6 =	simm.s32 @!p1 $0x1082;
	[sflag:s4] =	ssyncset.s32 $0xFFFFF086  }
0x25: {  	[simem:s6], [sflag:s4] =	dma.local [hbm:s3], $0xF7A  }
0x26: {  	[smem:$0x3F99] =	sst s1;
	(tag) =	ssettag s2;
	_ =	strace s9  }
0x27: {  	s1 =	sld [smem:$0x3FA9]  }
0x28: {  	s2 =	sld [smem:$0x3FAA]  }
0x29: {  	s4 =	sld [smem:$0x3FAC]  }
0x2a: {  	p0 =	seq.s32 s5, $0x0;
	s5 =	sld [smem:$0x3FAD]  }
0x2b: {  	s6 =	sld [smem:$0x3FAE]  }
0x2c: {  	s7 =	sld [smem:$0x3FAF]  }
0x2d: {  	s3 =	simm.s32 $0x108;
	s8 =	sld [smem:$0x3FB0]  }
0x2e: {  	s3 =	simm.s32 @!p0 $0x1082;
	s9 =	sld [smem:$0x3FB1]  }
0x2f: {  	lr =	sadd.s32 s0, s3;
	s0 =	sld [smem:$0x3FA8]  }
0x30: {  	s3 =	sld [smem:$0x3FAB]  }
0x31: {  	[smem:$0x3FB4] =	sst s10  }
0x32: {  	s10 =	sld [smem:$0x3FB2];
	_ =	sdelay $0x3  }
0x33: {  	p0 =	seq.s32 s10, $0x1;
	s10 =	sld [smem:$0x3FB4];
	_ =	sdelay $0x3  }
0x34: {  	[smem:$0x3FB4] =	sst s10  }
0x35: {  	s10 =	sld [smem:$0x3FB3];
	_ =	sdelay $0x3  }
0x36: {  	p1 =	seq.s32 s10, $0x1;
	s10 =	sld [smem:$0x3FB4];
	_ =	sdelay $0x3  }
0x37: {  	[smem:$0x3FB4] =	sst s10  }
0x38: {  	s10 =	sld [smem:$0x3FB5]  }
0x39: {  	_ = 	snop;
	(pc) =	sbr.ind lr, $3  }
0x3a: {  	_ = 	snop  }
0x3b: {  	_ = 	snop  }
0x3c: {  	p2 =	seq.s32 s10, $0x1;
	s10 =	sld [smem:$0x3FB4]  }
0x3d: {  	_ =	shalt  }
0x3e: {  	_ =	shalt  }
0x3f: {  	_ =	shalt  }
0x40: {  	_ =	shalt  }
0x41: {  	_ =	shalt  }
0x42: {  	_ =	shalt  }
0x43: {  	_ =	shalt  }
0x44: {  	_ =	shalt  }
0x45: {  	_ =	shalt  }
0x46: {  	_ =	shalt  }
0x47: {  	_ =	shalt  }
0x48: {  	_ =	shalt  }
0x49: {  	_ =	shalt  }
0x4a: {  	_ =	shalt  }
0x4b: {  	_ =	shalt  }
0x4c: {  	_ =	shalt  }
0x4d: {  	_ =	shalt  }
0x4e: {  	_ =	shalt  }
0x4f: {  	_ =	shalt  }
0x50: {  	_ =	shalt  }
0x51: {  	_ =	shalt  }
0x52: {  	_ =	shalt  }
0x53: {  	_ =	shalt  }
0x54: {  	_ =	shalt  }
0x55: {  	_ =	shalt  }
0x56: {  	_ =	shalt  }
0x57: {  	_ =	shalt  }
0x58: {  	_ =	shalt  }
0x59: {  	_ =	shalt  }
0x5a: {  	_ =	shalt  }
0x5b: {  	_ =	shalt  }
0x5c: {  	_ =	shalt  }
0x5d: {  	_ =	shalt  }
0x5e: {  	_ =	shalt  }
0x5f: {  	_ =	shalt  }
0x60: {  	_ =	shalt  }
0x61: {  	_ =	shalt  }
0x62: {  	_ =	shalt  }
0x63: {  	_ =	shalt  }
0x64: {  	_ =	shalt  }
0x65: {  	_ =	shalt  }
0x66: {  	_ =	shalt  }
0x67: {  	_ =	shalt  }
0x68: {  	_ =	shalt  }
0x69: {  	_ =	shalt  }
0x6a: {  	_ =	shalt  }
0x6b: {  	_ =	shalt  }
0x6c: {  	_ =	shalt  }
0x6d: {  	_ =	shalt  }
0x6e: {  	_ =	shalt  }
0x6f: {  	_ =	shalt  }
0x70: {  	_ =	shalt  }
0x71: {  	_ =	shalt  }
0x72: {  	_ =	shalt  }
0x73: {  	_ =	shalt  }
0x74: {  	_ =	shalt  }
0x75: {  	_ =	shalt  }
0x76: {  	_ =	shalt  }
0x77: {  	_ =	shalt  }
0x78: {  	_ =	shalt  }
0x79: {  	_ =	shalt  }
0x7a: {  	_ =	shalt  }
0x7b: {  	_ =	shalt  }
0x7c: {  	_ =	shalt  }
0x7d: {  	_ =	shalt  }
0x7e: {  	_ =	shalt  }
0x7f: {  	_ =	shalt  }
0x80: {  	_ =	shalt  }
0x81: {  	_ =	shalt  }
0x82: {  	_ =	shalt  }
0x83: {  	_ =	shalt  }
0x84: {  	_ =	shalt  }
0x85: {  	_ =	shalt  }
0x86: {  	_ =	shalt  }
0x87: {  	_ =	shalt  }
.Lfunc_end0:
.L_simem_size_0:
called_computation.1_lowered:
.L_overlay_start_0:
0x88: {  	s2 =	sld [smem:$0x3FD9]  }
0x89: {  	s3 =	sld [smem:$0x3FFE];
	_ =	sdelay $0x1  }
0x8a: {  	s1 =	srdreg.scid  }
0x8b: {  	s0 =	sand.u32 $0x1, s1  }
0x8c: {  	s17 =	sshll.u32 s0, $0xA;
	s2 =	sadd.s32 s3, s2  }
0x8d: {  	s2 =	sadd.s32 s2, s17  }
0x8e: {  	[smem:$0x3FC0] =	sst s2  }
0x8f: {  	_ = 	snop  }
0x90: {  	s2 =	sld [smem:$0x3FD0];
	(tm) =	ssettm $0x1  }
0x91: {  	s18 =	sld [smem:$0x3FFB];
	_ =	sdelay $0x3  }
0x92: {  	_ =	strace s18  }
0x93: {  	s3 =	sld [smem:$0x3FFC];
	_ =	sdelay $0x3  }
0x94: {  	_ =	strace s3  }
0x95: {  	s3 =	sld [smem:$0x3FFD];
	_ =	sdelay $0x3  }
0x96: {  	_ =	strace s3  }
0x97: {  	_ =	strace $0x8FFFFFFF  }
0x98: {  	s19 =	sld [smem:$0x3FDB];
	_ =	sdelay $0x1  }
0x99: {  	s4 =	simm.s32 $_scs_section_size  }
0x9a: {  	s5 =	simm.s32 $_size__tile_overlayer_lowered;
	s6 =	simm.s32 $_tile_overlayer_lowered  }
0x9b: {  	s22 =	simm.s32 $0x1BFF;
	s21 =	sshll.u32 s6, $0x1;
	s3 =	sadd.s32 s4, s19  }
0x9c: {  	s7 =	simm.s32 $0x0;
	s20 =	sshll.u32 s5, $0x1;
	s5 =	sadd.s32 s21, s3  }
0x9d: {  	[timem:s7], [sflag:s22] =	dma.local [hbm:s5], s20  }
0x9e: {  	_ =	swait.ge [sflag:s22], s20  }
0x9f: {  	s4 =	ssub.s32 $0x0, s20;
	[sflag:s22] =	ssyncset.done $0x0  }
0xa0: {  	[sflag:s22] =	ssyncadd.s32 s4;
	_ =	sdelay $0x1  }
0xa1: {  	s23 =	simm.s32 $0x1B8B  }
0xa2: {  	_ =	swait.ge [sflag:s23], $0x1  }
0xa3: {  	[sflag:s23] =	ssyncset.done $0x0  }
0xa4: {  	s25 =	simm.s32 $0x1B8E;
	s24 =	sld [smem:$0x3FFE];
	[sflag:s23] =	ssyncadd.s32 $0xFFFFFFFF  }
0xa5: {  	s26 =	simm.s32 $execute0_lowered;
	[smem:$0x3FD2] =	sst s25  }
0xa6: {  	s5 =	sshll.u32 s26, $0x1;
	_ =	strace $0x80000049;
	[dreg:$0x1] =	wrdreg $0xFFFFFFFF  }
0xa7: {  	s28 =	simm.s32 $_size_execute0_lowered;
	s3 =	sadd.s32 s3, s5;
	[dreg:$0x0] =	wrdreg $0x0  }
0xa8: {  	s5 =	sshll.u32 s28, $0x1;
	[dreg:$0x2] =	wrdreg s3  }
0xa9: {  	[dreg:$0x3] =	wrdreg s5  }
0xaa: {  	[dreg:$0x4] =	wrdreg $0xC0  }
0xab: {  	_ =	task [dreg:s7], $0x5FFFF  }
0xac: {  	[dreg:$0x1] =	wrdreg $0xFFFFFFFF  }
0xad: {  	[dreg:$0x0] =	wrdreg $0x60  }
0xae: {  	[dreg:$0x2] =	wrdreg s24  }
0xaf: {  	[dreg:$0x3] =	wrdreg s2  }
0xb0: {  	[dreg:$0x4] =	wrdreg $0x90000  }
0xb1: {  	[dreg:$0x5] =	wrdreg $0x9  }
0xb2: {  	_ =	task.clear_ibuf [dreg:s7], $0x6FFFF;
	_ =	strace $0x90000049  }
0xb3: {  	s29 =	simm.s32 $0x9;
	_ =	strace $0x8000004B  }
0xb4: {  	_ =	swait.ge [sflag:s29], $0x1  }
0xb5: {  	[sflag:s29] =	ssyncadd.s32 $0xFFFFFFFF  }
0xb6: {  	_ =	strace $0x9000004B  }
0xb7: {  	_ =	sfence  }
0xb8: {  	s30 =	sld [smem:$0x0];
	_ =	sdelay $0x2  }
0xb9: {  	s31 =	sshll.u32 s1, $0xD;
	s1 =	sshrl.u32 s1, $0x2  }
0xba: {  	s3 =	sand.u32 $0x4000, s31;
	s1 =	sadd.s32 s1, s30  }
0xbb: {  	s0 =	sor.u32 s3, s0;
	s1 =	sshll.u32 s1, $0x11  }
0xbc: {  	s0 =	sor.u32 s1, s0  }
0xbd: {  	s0 =	sadd.s32 $0x8F2B, s0  }
0xbe: {  	[sflag:s0] =	ssyncadd.remote.s32 $0x1  }
0xbf: {  	_ =	sfence.sel $0xFFFF  }
0xc0: {  	[dreg:$0x0] =	wrdreg $0xFFFFFFFF;
	(pc) =	sbr.abs _section_cstart, $3  }
0xc1: {  	[dreg:$0x1] =	wrdreg $0xFFFFFFFF  }
0xc2: {  	_ =	task.clear_ibuf [dreg:s7], $0x2FFFF;
	_ =	strace $0x9FFFFFFF  }
0xc3: {  	(tm) =	ssettm $0x7FFFFFFF  }
tec
execute0_lowered:
.L_overlay_start_1:
0x0: {  	(tag) =	ssettag $0x1  }
0x1: {  	s6 =	rddreg [dreg:$0x0];
	s0 =	srdreg.scid  }
0x2: {  	s12 =	stileid.u32;
	s8 =	rddreg [dreg:$0x1]  }
0x3: {  	s1 =	rddreg [dreg:$0x2];
	s2 =	simm.s32 $0x0;
	s18 =	simm.s32 $0x1  }
0x4: {  	s19 =	simm.s32 $0x0;
	s5 =	sand.u32 $0x1, s0;
	s0 =	rddreg [dreg:$0x3]  }
0x5: {  	s25 =	sshll.u32 s12, $0x1;
	[smem:$0x7FF] =	sst s2;
	s10 =	smul.u32 $0x13800, s12  }
0x6: {  	s4 =	smul.u32 $0x4E000, s12;
	s15 =	sadd.s32 $0x5A600, s6;
	s28 =	sshll.u32 s12, $0x6  }
0x7: {  	s17 =	sadd.s32 $0x138000, s1;
	p0 =	sne.s32 s12, $0x0;
	s3 =	sor.u32 s5, s25  }
0x8: {  	_ =	strace $0x8000004A;
	s13 =	ssub.s32 $0x2, s5;
	s16 =	smul.u32 $0x138C00, s5  }
0x9: {  	s5 =	sor.u32 $0x1C02, s28;
	s9 =	smul.u32 $0x500, s3;
	s3 =	sadd.s32 $0xC200, s6  }
0xa: {  	s11 =	sshrl.u32 s10, $0x3;
	s14 =	sshrl.u32 s13, $0x1;
	s4 =	sshrl.u32 s4, $0x2  }
0xb: {  	s11 =	sadd.s32 s11, s6;
	s13 =	ssub.s32 s13, s14;
	s26 =	sadd.s32 s4, s1  }
0xc: {  	s10 =	sadd.s32 s10, s16;
	s29 =	sshrl.u32 s16, $0x3;
	s14 =	sshrl.u32 @!p0 s17, $0x3  }
0xd: {  	s16 =	simm.s32 $0x80;
	s17 =	simm.s32 $0x5000;
	s7 =	sadd.s32 s9, s6  }
0xe: {  	s4 =	sadd.s32 $0x33400, s11;
	s6 =	sadd.s32 $0x5A400, s6;
	s8 =	sadd.s32 s8, s9  }
0xf: {  	s30 =	sshrl.u32 s10, $0x3;
	s31 =	sadd.s32 s15, s29;
	s11 =	smax.u32 s13, $0x1  }
0x10: {  	s12 =	sshrl.u32 s26, $0x3;
	s13 =	simm.s32 $0x2;
	s7 =	sadd.s32 $0x2200, s7  }
0x11: {  	s9 =	sadd.s32 s15, s30;
	s10 =	sadd.s32 $0x27000, s31;
	s15 =	simm.s32 $0x2800  }
.LBB2_1:
0x12: {  	[spmem:s12], [sflag:s5] =	dma.local [hbm:s4], $0x2700  }
0x13: {  	_ =	swait.ge [sflag:s13], $0x2700  }
0x14: {  	[sflag:s13] =	ssyncset.done $0x0  }
0x15: {  	s20 =	simm.s32 @!p0 $0x2;
	[sflag:s13] =	ssyncadd.s32 $0xFFFFD900  }
0x16: {  	[spmem:s14], [sflag:s5] =	dma.local @!p0 [hbm:s6], $0x180  }
0x17: {  	_ =	swait.ge @!p0 [sflag:s20], $0x180  }
0x18: {  	[sflag:s20] =	ssyncset.done @!p0 $0x0  }
0x19: {  	[sflag:s20] =	ssyncadd.s32 @!p0 $0xFFFFFE80  }
0x1a: {  	[tilespmem:s2], [sflag:$0x2] =	stream.linear.gather [hbm4b:s7+s2], $0x2800, $0x38;
	[tilespmem:$0x1C8C0] =	vst v63  }
0x1b: {  	_ =	swait.ge [sflag:s13], $0x2800  }
0x1c: {  	[sflag:s13] =	ssyncset.done $0x0  }
0x1d: {  	[sflag:s13] =	ssyncadd.s32 $0xFFFFD800  }
0x1e: {  	[tilespmem:s15], [sflag:$0x2] =	stream.linear.gather [hbm4b:s8+s2], $0x2800, $0x38;
	[tilespmem:$0x1C8C0] =	vst v63  }
0x1f: {  	_ =	swait.ge [sflag:s13], $0x2800  }
0x20: {  	[sflag:s13] =	ssyncset.done $0x0  }
0x21: {  	[sflag:s13] =	ssyncadd.s32 $0xFFFFD800  }
0x22: {  	s30 =	simm.s32 $0x0;
	[bflag:$0x0] =	sbarrier.arrive $0xFFFF  }
0x23: {  	[tilespmem:s17], [sflag:$0x1] =	stream.indirect.gather [hbm4b:s3+s16], $0x80, s30, s16, $0xb8;
	[tilespmem:$0x1C8C0] =	vst v63  }
0x24: {  	_ =	swait.ge [sflag:s18], $0x4000  }
0x25: {  	[sflag:s18] =	ssyncset.done $0x0  }
0x26: {  	s31 =	simm.s32 $0x2800;
	[sflag:s18] =	ssyncadd.s32 $0xFFFFC000  }
0x27: {  	[spmem:s1] =	stream.indirect.scatter.add.f32 [tilespmem:s17], [sflag:$0x2], $0x80, s31, s16, $0xb8;
	[tilespmem:$0x1C8C0] =	vst v63  }
0x28: {  	_ =	swait.ge [sflag:s13], $0x4000  }
0x29: {  	s21 =	simm.s32 $0x400;
	s20 =	simm.s32 $0x200;
	[sflag:s13] =	ssyncset.done $0x0  }
.LBB2_2:
0x2a: {  	s22 =	sshra.s32 s20, $0x2  }
0x2b: {  	[sflag:s13] =	ssyncadd.s32 $0xFFFFC000;
	s20 =	smov.u32 s21;
	s23 =	sadd.s32 $0x200, s21  }
0x2c: {  	[tilespmem:s17], [sflag:$0x1] =	stream.indirect.gather [hbm4b:s3+s16], $0x80, s22, s16, $0xb8;
	[tilespmem:$0x1C8C0] =	vst v63  }
0x2d: {  	p1 =	sne.s32 s21, $0x9E00;
	_ =	swait.ge [sflag:s18], $0x4000  }
.Ltmp0:
0x2e: {  	[sflag:s18] =	ssyncset.done $0x0;
	(pc) =	sbr.rel @p1 .LBB2_2-.Ltmp0, $4  }
0x2f: {  	s21 =	sadd.s32 $0x2800, s22;
	[sflag:s18] =	ssyncadd.s32 $0xFFFFC000  }
0x30: {  	[spmem:s1] =	stream.indirect.scatter.add.f32 [tilespmem:s17], [sflag:$0x2], $0x80, s21, s16, $0xb8;
	[tilespmem:$0x1C8C0] =	vst v63  }
0x31: {  	_ =	swait.ge [sflag:s13], $0x4000  }
0x32: {  	s21 =	smov.u32 s23;
	[sflag:s13] =	ssyncset.done $0x0  }
0x33: {  	s20 =	sshra.s32 s20, $0x2;
	[sflag:s13] =	ssyncadd.s32 $0xFFFFC000  }
0x34: {  	[tilespmem:s17], [sflag:$0x1] =	stream.indirect.gather [hbm4b:s3+s16], $0x80, s20, s16, $0xb8;
	[tilespmem:$0x1C8C0] =	vst v63  }
0x35: {  	_ =	swait.ge [sflag:s18], $0x4000  }
0x36: {  	[sflag:s18] =	ssyncset.done $0x0  }
0x37: {  	s20 =	sadd.s32 $0x2800, s20;
	[sflag:s18] =	ssyncadd.s32 $0xFFFFC000  }
0x38: {  	[spmem:s1] =	stream.indirect.scatter.add.f32 [tilespmem:s17], [sflag:$0x2], $0x80, s20, s16, $0xb8;
	[tilespmem:$0x1C8C0] =	vst v63  }
0x39: {  	_ =	swait.ge [sflag:s13], $0x4000  }
0x3a: {  	[sflag:s13] =	ssyncset.done $0x0  }
0x3b: {  	[sflag:s13] =	ssyncadd.s32 $0xFFFFC000  }
0x3c: {  	[bflag:$0x0] =	sbarrier.arrive $0xFFFF  }
0x3d: {  	[hbm:s9], [sflag:s5] =	dma.local [spmem:s12], $0x2700  }
0x3e: {  	s19 =	sadd.s32 $0x1, s19;
	_ =	swait.ge [sflag:s13], $0x2700  }
0x3f: {  	p1 =	sne.s32 s19, s11;
	[sflag:s13] =	ssyncset.done $0x0  }
.Ltmp1:
0x40: {  	s20 =	simm.s32 @!p0 $0x2;
	[sflag:s13] =	ssyncadd.s32 $0xFFFFD900;
	(pc) =	sbr.rel @p1 .LBB2_1-.Ltmp1, $4  }
0x41: {  	[hbm:s10], [sflag:s5] =	dma.local @!p0 [spmem:s14], $0x180  }
0x42: {  	_ =	swait.ge @!p0 [sflag:s20], $0x180  }
0x43: {  	[sflag:s20] =	ssyncset.done @!p0 $0x0  }
0x44: {  	[sflag:s20] =	ssyncadd.s32 @!p0 $0xFFFFFE80  }
0x45: {  	_ =	sfence.sel $0x180000  }
0x46: {  	[bflag:$0x0] =	sbarrier.arrive $0xFFFF  }
0x47: {  	_ =	strace $0x9000004A  }
0x48: {  	s0 =	sadd.s32 @!p0 $0x100000, s0;
	[bflag:$0x2] =	sbarrier.arrive $0xFFFF  }
0x49: {  	[sflag:s0] =	ssyncadd.tile.s32 @!p0 $0x1;
	_ =	shalt  }
.Lfunc_end2:
_tile_overlayer_lowered:
.L_overlay_start_2:
0x4a: {  	(tag) =	ssettag $0x2  }
0x4b: {  	s0 =	rddreg [dreg:$0x0];
	s2 =	stileid.u32  }
0x4c: {  	s1 =	rddreg [dreg:$0x1];
	p0 =	sne.s32 s2, $0x0  }
0x4d: {  	s3 =	rddreg [dreg:$0x2];
	[bflag:$0x3] =	sbarrier.arrive $0xFFFF;
	s2 =	simm.s32 @!p0 $0x1C02  }
0x4e: {  	[timem:s3], [sflag:s2] =	dma.local @!p0 [hbm:s0], s1  }
0x4f: {  	s0 =	simm.s32 @!p0 $0x2  }
0x50: {  	_ =	swait.ge @!p0 [sflag:s0], s1  }
0x51: {  	s1 =	ssub.s32 @!p0 $0x0, s1;
	[sflag:s0] =	ssyncset.done @!p0 $0x0  }
0x52: {  	[sflag:s0] =	ssyncadd.s32 @!p0 s1  }
0x53: {  	[bflag:$0x3] =	sbarrier.arrive $0xFFFF  }
0x54: {  	_ =	shalt  }

// kernel: kernel.7.cloned.1.call-start
scs
__scs_entry_jumppad:
0x0: {  	(pc) =	sbr.rel $0x88, $3  }
0x1: {  	(tag) =	ssettag $0x0;
	lr =	simm.s32 $0x1  }
0x2: {  	[smem:$0x3F99] =	sst lr;
	_ =	strace $0xD0000000  }
0x3: {  	_ = 	snop  }
0x4: {  	_ = 	snop  }
0x5: {  	_ = 	snop  }
0x6: {  	_ = 	snop  }
0x7: {  	_ = 	snop  }
__scs_overlays_trampoline_lowered:
0x8: {  	[smem:$0x3FA8] =	sst s0  }
0x9: {  	[smem:$0x3FA9] =	sst s1  }
0xa: {  	[smem:$0x3FAA] =	sst s2  }
0xb: {  	[smem:$0x3FAB] =	sst s3  }
0xc: {  	[smem:$0x3FAC] =	sst s4  }
0xd: {  	[smem:$0x3FAD] =	sst s5  }
0xe: {  	[smem:$0x3FAE] =	sst s6  }
0xf: {  	[smem:$0x3FAF] =	sst s7  }
0x10: {  	[smem:$0x3FB0] =	sst s8  }
0x11: {  	[smem:$0x3FB1] =	sst s9;
	s0 =	simm.s32 @!p0 $0x0  }
0x12: {  	s1 =	sld [smem:$0x3F97];
	s0 =	simm.s32 @p0 $0x1  }
0x13: {  	[smem:$0x3FB2] =	sst s0;
	s0 =	simm.s32 @!p1 $0x0  }
0x14: {  	s2 =	sld [smem:$0x3F96];
	s0 =	simm.s32 @p1 $0x1  }
0x15: {  	[smem:$0x3FB3] =	sst s0;
	s0 =	simm.s32 @!p2 $0x0  }
0x16: {  	s3 =	sld [smem:$0x3FDB];
	s0 =	simm.s32 @p2 $0x1  }
0x17: {  	s4 =	simm.s32 $0x1BF5;
	[smem:$0x3FB5] =	sst s0  }
0x18: {  	s0 =	sld [smem:$0x3F98];
	_ =	swait.ge [sflag:s4], $0x0  }
0x19: {  	s7 =	sld [smem:$0x3F99]  }
0x1a: {  	s8 =	sadd.s32 $0xFFFFE003, lr  }
0x1b: {  	s9 =	sadd.s32 $0xFFFFFEF7, lr;
	s5 =	simm.s32 $0xFFFFFFFF;
	p2 =	slt.u32 s8, $0xFFFFF086  }
0x1c: {  	p1 =	slt.u32 s9, $0xF7A;
	s5 =	simm.s32 @!p2 $0x0  }
0x1d: {  	s5 =	simm.s32 @p1 $0x1;
	p0 =	seq.s32 s7, s2  }
0x1e: {  	s7 =	smul.u32 @!p0 $0xF7A, s2;
	p2 =	seq.s32 @!p0 s5, $0x0  }
0x1f: {  	s9 =	smul.u32 $0xF7A, s1;
	s8 =	simm.s32 @!p0 $0x1BF5;
	p2 =	por !p2, p0  }
0x20: {  	[sflag:s8] =	ssyncset.s32 @!p0 $0xFFFFF086;
	s6 =	sadd.s32 @!p0 s3, s7;
	s7 =	simm.s32 @!p0 $0x108  }
0x21: {  	s3 =	sadd.s32 s3, s9;
	s6 =	sadd.s32 @!p0 $0x88, s6;
	s7 =	simm.s32 @p2 $0x1082  }
0x22: {  	[simem:s7], [sflag:s8] =	dma.local @!p0 [hbm:s6], $0xF7A  }
0x23: {  	s9 =	sor.u32 $0xD0000000, s2;
	s6 =	simm.s32 $0x108;
	_ =	swait.ge @!p0 [sflag:s8], $0x0  }
0x24: {  	s3 =	sadd.s32 $0x88, s3;
	s6 =	simm.s32 @!p1 $0x1082;
	[sflag:s4] =	ssyncset.s32 $0xFFFFF086  }
0x25: {  	[simem:s6], [sflag:s4] =	dma.local [hbm:s3], $0xF7A  }
0x26: {  	[smem:$0x3F99] =	sst s1;
	(tag) =	ssettag s2;
	_ =	strace s9  }
0x27: {  	s1 =	sld [smem:$0x3FA9]  }
0x28: {  	s2 =	sld [smem:$0x3FAA]  }
0x29: {  	s4 =	sld [smem:$0x3FAC]  }
0x2a: {  	p0 =	seq.s32 s5, $0x0;
	s5 =	sld [smem:$0x3FAD]  }
0x2b: {  	s6 =	sld [smem:$0x3FAE]  }
0x2c: {  	s7 =	sld [smem:$0x3FAF]  }
0x2d: {  	s3 =	simm.s32 $0x108;
	s8 =	sld [smem:$0x3FB0]  }
0x2e: {  	s3 =	simm.s32 @!p0 $0x1082;
	s9 =	sld [smem:$0x3FB1]  }
0x2f: {  	lr =	sadd.s32 s0, s3;
	s0 =	sld [smem:$0x3FA8]  }
0x30: {  	s3 =	sld [smem:$0x3FAB]  }
0x31: {  	[smem:$0x3FB4] =	sst s10  }
0x32: {  	s10 =	sld [smem:$0x3FB2];
	_ =	sdelay $0x3  }
0x33: {  	p0 =	seq.s32 s10, $0x1;
	s10 =	sld [smem:$0x3FB4];
	_ =	sdelay $0x3  }
0x34: {  	[smem:$0x3FB4] =	sst s10  }
0x35: {  	s10 =	sld [smem:$0x3FB3];
	_ =	sdelay $0x3  }
0x36: {  	p1 =	seq.s32 s10, $0x1;
	s10 =	sld [smem:$0x3FB4];
	_ =	sdelay $0x3  }
0x37: {  	[smem:$0x3FB4] =	sst s10  }
0x38: {  	s10 =	sld [smem:$0x3FB5]  }
0x39: {  	_ = 	snop;
	(pc) =	sbr.ind lr, $3  }
0x3a: {  	_ = 	snop  }
0x3b: {  	_ = 	snop  }
0x3c: {  	p2 =	seq.s32 s10, $0x1;
	s10 =	sld [smem:$0x3FB4]  }
0x3d: {  	_ =	shalt  }
0x3e: {  	_ =	shalt  }
0x3f: {  	_ =	shalt  }
0x40: {  	_ =	shalt  }
0x41: {  	_ =	shalt  }
0x42: {  	_ =	shalt  }
0x43: {  	_ =	shalt  }
0x44: {  	_ =	shalt  }
0x45: {  	_ =	shalt  }
0x46: {  	_ =	shalt  }
0x47: {  	_ =	shalt  }
0x48: {  	_ =	shalt  }
0x49: {  	_ =	shalt  }
0x4a: {  	_ =	shalt  }
0x4b: {  	_ =	shalt  }
0x4c: {  	_ =	shalt  }
0x4d: {  	_ =	shalt  }
0x4e: {  	_ =	shalt  }
0x4f: {  	_ =	shalt  }
0x50: {  	_ =	shalt  }
0x51: {  	_ =	shalt  }
0x52: {  	_ =	shalt  }
0x53: {  	_ =	shalt  }
0x54: {  	_ =	shalt  }
0x55: {  	_ =	shalt  }
0x56: {  	_ =	shalt  }
0x57: {  	_ =	shalt  }
0x58: {  	_ =	shalt  }
0x59: {  	_ =	shalt  }
0x5a: {  	_ =	shalt  }
0x5b: {  	_ =	shalt  }
0x5c: {  	_ =	shalt  }
0x5d: {  	_ =	shalt  }
0x5e: {  	_ =	shalt  }
0x5f: {  	_ =	shalt  }
0x60: {  	_ =	shalt  }
0x61: {  	_ =	shalt  }
0x62: {  	_ =	shalt  }
0x63: {  	_ =	shalt  }
0x64: {  	_ =	shalt  }
0x65: {  	_ =	shalt  }
0x66: {  	_ =	shalt  }
0x67: {  	_ =	shalt  }
0x68: {  	_ =	shalt  }
0x69: {  	_ =	shalt  }
0x6a: {  	_ =	shalt  }
0x6b: {  	_ =	shalt  }
0x6c: {  	_ =	shalt  }
0x6d: {  	_ =	shalt  }
0x6e: {  	_ =	shalt  }
0x6f: {  	_ =	shalt  }
0x70: {  	_ =	shalt  }
0x71: {  	_ =	shalt  }
0x72: {  	_ =	shalt  }
0x73: {  	_ =	shalt  }
0x74: {  	_ =	shalt  }
0x75: {  	_ =	shalt  }
0x76: {  	_ =	shalt  }
0x77: {  	_ =	shalt  }
0x78: {  	_ =	shalt  }
0x79: {  	_ =	shalt  }
0x7a: {  	_ =	shalt  }
0x7b: {  	_ =	shalt  }
0x7c: {  	_ =	shalt  }
0x7d: {  	_ =	shalt  }
0x7e: {  	_ =	shalt  }
0x7f: {  	_ =	shalt  }
0x80: {  	_ =	shalt  }
0x81: {  	_ =	shalt  }
0x82: {  	_ =	shalt  }
0x83: {  	_ =	shalt  }
0x84: {  	_ =	shalt  }
0x85: {  	_ =	shalt  }
0x86: {  	_ =	shalt  }
0x87: {  	_ =	shalt  }
.Lfunc_end0:
.L_simem_size_0:
called_computation_lowered:
.L_overlay_start_0:
0x88: {  	s2 =	sld [smem:$0x3FD9]  }
0x89: {  	s3 =	sld [smem:$0x3FFE];
	_ =	sdelay $0x1  }
0x8a: {  	s1 =	srdreg.scid  }
0x8b: {  	s0 =	sand.u32 $0x1, s1  }
0x8c: {  	s17 =	sshll.u32 s0, $0xA;
	s2 =	sadd.s32 s3, s2  }
0x8d: {  	s2 =	sadd.s32 s2, s17  }
0x8e: {  	[smem:$0x3FC0] =	sst s2  }
0x8f: {  	_ = 	snop  }
0x90: {  	s2 =	sld [smem:$0x3FD0];
	(tm) =	ssettm $0x1  }
0x91: {  	s18 =	sld [smem:$0x3FFB];
	_ =	sdelay $0x3  }
0x92: {  	_ =	strace s18  }
0x93: {  	s3 =	sld [smem:$0x3FFC];
	_ =	sdelay $0x3  }
0x94: {  	_ =	strace s3  }
0x95: {  	s3 =	sld [smem:$0x3FFD];
	_ =	sdelay $0x3  }
0x96: {  	_ =	strace s3  }
0x97: {  	_ =	strace $0x8FFFFFFF  }
0x98: {  	s19 =	sld [smem:$0x3FDB];
	_ =	sdelay $0x1  }
0x99: {  	s4 =	simm.s32 $_scs_section_size  }
0x9a: {  	s5 =	simm.s32 $_size__tile_overlayer_lowered;
	s6 =	simm.s32 $_tile_overlayer_lowered  }
0x9b: {  	s22 =	simm.s32 $0x1BFF;
	s21 =	sshll.u32 s6, $0x1;
	s3 =	sadd.s32 s4, s19  }
0x9c: {  	s7 =	simm.s32 $0x0;
	s20 =	sshll.u32 s5, $0x1;
	s5 =	sadd.s32 s21, s3  }
0x9d: {  	[timem:s7], [sflag:s22] =	dma.local [hbm:s5], s20  }
0x9e: {  	_ =	swait.ge [sflag:s22], s20  }
0x9f: {  	s4 =	ssub.s32 $0x0, s20;
	[sflag:s22] =	ssyncset.done $0x0  }
0xa0: {  	[sflag:s22] =	ssyncadd.s32 s4;
	_ =	sdelay $0x1  }
0xa1: {  	s23 =	simm.s32 $0x1B8B  }
0xa2: {  	_ =	swait.ge [sflag:s23], $0x1  }
0xa3: {  	[sflag:s23] =	ssyncset.done $0x0  }
0xa4: {  	s25 =	simm.s32 $0x1B8E;
	s24 =	sld [smem:$0x3FFE];
	[sflag:s23] =	ssyncadd.s32 $0xFFFFFFFF  }
0xa5: {  	s26 =	simm.s32 $execute0_lowered;
	[smem:$0x3FD2] =	sst s25  }
0xa6: {  	s5 =	sshll.u32 s26, $0x1;
	_ =	strace $0x80000046;
	[dreg:$0x1] =	wrdreg $0xFFFFFFFF  }
0xa7: {  	s28 =	simm.s32 $_size_execute0_lowered;
	s3 =	sadd.s32 s3, s5;
	[dreg:$0x0] =	wrdreg $0x0  }
0xa8: {  	s5 =	sshll.u32 s28, $0x1;
	[dreg:$0x2] =	wrdreg s3  }
0xa9: {  	[dreg:$0x3] =	wrdreg s5  }
0xaa: {  	[dreg:$0x4] =	wrdreg $0xC0  }
0xab: {  	_ =	task [dreg:s7], $0x5FFFF  }
0xac: {  	[dreg:$0x1] =	wrdreg $0xFFFFFFFF  }
0xad: {  	[dreg:$0x0] =	wrdreg $0x60  }
0xae: {  	[dreg:$0x2] =	wrdreg s24  }
0xaf: {  	[dreg:$0x3] =	wrdreg s2  }
0xb0: {  	[dreg:$0x4] =	wrdreg $0x90000  }
0xb1: {  	[dreg:$0x5] =	wrdreg $0x9  }
0xb2: {  	_ =	task.clear_ibuf [dreg:s7], $0x6FFFF;
	_ =	strace $0x90000046  }
0xb3: {  	s29 =	simm.s32 $0x9;
	_ =	strace $0x80000048  }
0xb4: {  	_ =	swait.ge [sflag:s29], $0x1  }
0xb5: {  	[sflag:s29] =	ssyncadd.s32 $0xFFFFFFFF  }
0xb6: {  	_ =	strace $0x90000048  }
0xb7: {  	_ =	sfence  }
0xb8: {  	s30 =	sld [smem:$0x0];
	_ =	sdelay $0x2  }
0xb9: {  	s31 =	sshll.u32 s1, $0xD;
	s1 =	sshrl.u32 s1, $0x2  }
0xba: {  	s3 =	sand.u32 $0x4000, s31;
	s1 =	sadd.s32 s1, s30  }
0xbb: {  	s0 =	sor.u32 s3, s0;
	s1 =	sshll.u32 s1, $0x11  }
0xbc: {  	s0 =	sor.u32 s1, s0  }
0xbd: {  	s0 =	sadd.s32 $0x8F2B, s0  }
0xbe: {  	[sflag:s0] =	ssyncadd.remote.s32 $0x1  }
0xbf: {  	_ =	sfence.sel $0xFFFF  }
0xc0: {  	[dreg:$0x0] =	wrdreg $0xFFFFFFFF;
	(pc) =	sbr.abs _section_cstart, $3  }
0xc1: {  	[dreg:$0x1] =	wrdreg $0xFFFFFFFF  }
0xc2: {  	_ =	task.clear_ibuf [dreg:s7], $0x2FFFF;
	_ =	strace $0x9FFFFFFF  }
0xc3: {  	(tm) =	ssettm $0x7FFFFFFF  }
tec
execute0_lowered:
.L_overlay_start_1:
0x0: {  	(tag) =	ssettag $0x1  }
0x1: {  	s6 =	rddreg [dreg:$0x0];
	s0 =	srdreg.scid  }
0x2: {  	s12 =	stileid.u32;
	s8 =	rddreg [dreg:$0x1]  }
0x3: {  	s1 =	rddreg [dreg:$0x2];
	s2 =	simm.s32 $0x0;
	s18 =	simm.s32 $0x1  }
0x4: {  	s19 =	simm.s32 $0x0;
	s5 =	sand.u32 $0x1, s0;
	s0 =	rddreg [dreg:$0x3]  }
0x5: {  	s25 =	sshll.u32 s12, $0x1;
	[smem:$0x7FF] =	sst s2;
	s10 =	smul.u32 $0x13800, s12  }
0x6: {  	s4 =	smul.u32 $0x4E000, s12;
	s15 =	sadd.s32 $0x5A600, s6;
	s28 =	sshll.u32 s12, $0x6  }
0x7: {  	s17 =	sadd.s32 $0x138000, s1;
	p0 =	sne.s32 s12, $0x0;
	s3 =	sor.u32 s5, s25  }
0x8: {  	_ =	strace $0x80000047;
	s13 =	ssub.s32 $0x2, s5;
	s16 =	smul.u32 $0x138C00, s5  }
0x9: {  	s5 =	sor.u32 $0x1C02, s28;
	s9 =	smul.u32 $0x500, s3;
	s3 =	sadd.s32 $0xC200, s6  }
0xa: {  	s11 =	sshrl.u32 s10, $0x3;
	s14 =	sshrl.u32 s13, $0x1;
	s4 =	sshrl.u32 s4, $0x2  }
0xb: {  	s11 =	sadd.s32 s11, s6;
	s13 =	ssub.s32 s13, s14;
	s26 =	sadd.s32 s4, s1  }
0xc: {  	s10 =	sadd.s32 s10, s16;
	s29 =	sshrl.u32 s16, $0x3;
	s14 =	sshrl.u32 @!p0 s17, $0x3  }
0xd: {  	s16 =	simm.s32 $0x80;
	s17 =	simm.s32 $0x5000;
	s7 =	sadd.s32 s9, s6  }
0xe: {  	s4 =	sadd.s32 $0x33400, s11;
	s6 =	sadd.s32 $0x5A400, s6;
	s8 =	sadd.s32 s8, s9  }
0xf: {  	s30 =	sshrl.u32 s10, $0x3;
	s31 =	sadd.s32 s15, s29;
	s11 =	smax.u32 s13, $0x1  }
0x10: {  	s12 =	sshrl.u32 s26, $0x3;
	s13 =	simm.s32 $0x2;
	s7 =	sadd.s32 $0x2200, s7  }
0x11: {  	s9 =	sadd.s32 s15, s30;
	s10 =	sadd.s32 $0x27000, s31;
	s15 =	simm.s32 $0x2800  }
.LBB2_1:
0x12: {  	[spmem:s12], [sflag:s5] =	dma.local [hbm:s4], $0x2700  }
0x13: {  	_ =	swait.ge [sflag:s13], $0x2700  }
0x14: {  	[sflag:s13] =	ssyncset.done $0x0  }
0x15: {  	s20 =	simm.s32 @!p0 $0x2;
	[sflag:s13] =	ssyncadd.s32 $0xFFFFD900  }
0x16: {  	[spmem:s14], [sflag:s5] =	dma.local @!p0 [hbm:s6], $0x180  }
0x17: {  	_ =	swait.ge @!p0 [sflag:s20], $0x180  }
0x18: {  	[sflag:s20] =	ssyncset.done @!p0 $0x0  }
0x19: {  	[sflag:s20] =	ssyncadd.s32 @!p0 $0xFFFFFE80  }
0x1a: {  	[tilespmem:s2], [sflag:$0x2] =	stream.linear.gather [hbm4b:s7+s2], $0x2800, $0x38;
	[tilespmem:$0x1C8C0] =	vst v63  }
0x1b: {  	_ =	swait.ge [sflag:s13], $0x2800  }
0x1c: {  	[sflag:s13] =	ssyncset.done $0x0  }
0x1d: {  	[sflag:s13] =	ssyncadd.s32 $0xFFFFD800  }
0x1e: {  	[tilespmem:s15], [sflag:$0x2] =	stream.linear.gather [hbm4b:s8+s2], $0x2800, $0x38;
	[tilespmem:$0x1C8C0] =	vst v63  }
0x1f: {  	_ =	swait.ge [sflag:s13], $0x2800  }
0x20: {  	[sflag:s13] =	ssyncset.done $0x0  }
0x21: {  	[sflag:s13] =	ssyncadd.s32 $0xFFFFD800  }
0x22: {  	s30 =	simm.s32 $0x0;
	[bflag:$0x0] =	sbarrier.arrive $0xFFFF  }
0x23: {  	[tilespmem:s17], [sflag:$0x1] =	stream.indirect.gather [hbm4b:s3+s16], $0x80, s30, s16, $0xb8;
	[tilespmem:$0x1C8C0] =	vst v63  }
0x24: {  	_ =	swait.ge [sflag:s18], $0x4000  }
0x25: {  	[sflag:s18] =	ssyncset.done $0x0  }
0x26: {  	s31 =	simm.s32 $0x2800;
	[sflag:s18] =	ssyncadd.s32 $0xFFFFC000  }
0x27: {  	[spmem:s1] =	stream.indirect.scatter.add.f32 [tilespmem:s17], [sflag:$0x2], $0x80, s31, s16, $0xb8;
	[tilespmem:$0x1C8C0] =	vst v63  }
0x28: {  	_ =	swait.ge [sflag:s13], $0x4000  }
0x29: {  	s21 =	simm.s32 $0x400;
	s20 =	simm.s32 $0x200;
	[sflag:s13] =	ssyncset.done $0x0  }
.LBB2_2:
0x2a: {  	s22 =	sshra.s32 s20, $0x2  }
0x2b: {  	[sflag:s13] =	ssyncadd.s32 $0xFFFFC000;
	s20 =	smov.u32 s21;
	s23 =	sadd.s32 $0x200, s21  }
0x2c: {  	[tilespmem:s17], [sflag:$0x1] =	stream.indirect.gather [hbm4b:s3+s16], $0x80, s22, s16, $0xb8;
	[tilespmem:$0x1C8C0] =	vst v63  }
0x2d: {  	p1 =	sne.s32 s21, $0x9E00;
	_ =	swait.ge [sflag:s18], $0x4000  }
.Ltmp0:
0x2e: {  	[sflag:s18] =	ssyncset.done $0x0;
	(pc) =	sbr.rel @p1 .LBB2_2-.Ltmp0, $4  }
0x2f: {  	s21 =	sadd.s32 $0x2800, s22;
	[sflag:s18] =	ssyncadd.s32 $0xFFFFC000  }
0x30: {  	[spmem:s1] =	stream.indirect.scatter.add.f32 [tilespmem:s17], [sflag:$0x2], $0x80, s21, s16, $0xb8;
	[tilespmem:$0x1C8C0] =	vst v63  }
0x31: {  	_ =	swait.ge [sflag:s13], $0x4000  }
0x32: {  	s21 =	smov.u32 s23;
	[sflag:s13] =	ssyncset.done $0x0  }
0x33: {  	s20 =	sshra.s32 s20, $0x2;
	[sflag:s13] =	ssyncadd.s32 $0xFFFFC000  }
0x34: {  	[tilespmem:s17], [sflag:$0x1] =	stream.indirect.gather [hbm4b:s3+s16], $0x80, s20, s16, $0xb8;
	[tilespmem:$0x1C8C0] =	vst v63  }
0x35: {  	_ =	swait.ge [sflag:s18], $0x4000  }
0x36: {  	[sflag:s18] =	ssyncset.done $0x0  }
0x37: {  	s20 =	sadd.s32 $0x2800, s20;
	[sflag:s18] =	ssyncadd.s32 $0xFFFFC000  }
0x38: {  	[spmem:s1] =	stream.indirect.scatter.add.f32 [tilespmem:s17], [sflag:$0x2], $0x80, s20, s16, $0xb8;
	[tilespmem:$0x1C8C0] =	vst v63  }
0x39: {  	_ =	swait.ge [sflag:s13], $0x4000  }
0x3a: {  	[sflag:s13] =	ssyncset.done $0x0  }
0x3b: {  	[sflag:s13] =	ssyncadd.s32 $0xFFFFC000  }
0x3c: {  	[bflag:$0x0] =	sbarrier.arrive $0xFFFF  }
0x3d: {  	[hbm:s9], [sflag:s5] =	dma.local [spmem:s12], $0x2700  }
0x3e: {  	s19 =	sadd.s32 $0x1, s19;
	_ =	swait.ge [sflag:s13], $0x2700  }
0x3f: {  	p1 =	sne.s32 s19, s11;
	[sflag:s13] =	ssyncset.done $0x0  }
.Ltmp1:
0x40: {  	s20 =	simm.s32 @!p0 $0x2;
	[sflag:s13] =	ssyncadd.s32 $0xFFFFD900;
	(pc) =	sbr.rel @p1 .LBB2_1-.Ltmp1, $4  }
0x41: {  	[hbm:s10], [sflag:s5] =	dma.local @!p0 [spmem:s14], $0x180  }
0x42: {  	_ =	swait.ge @!p0 [sflag:s20], $0x180  }
0x43: {  	[sflag:s20] =	ssyncset.done @!p0 $0x0  }
0x44: {  	[sflag:s20] =	ssyncadd.s32 @!p0 $0xFFFFFE80  }
0x45: {  	_ =	sfence.sel $0x180000  }
0x46: {  	[bflag:$0x0] =	sbarrier.arrive $0xFFFF  }
0x47: {  	_ =	strace $0x90000047  }
0x48: {  	s0 =	sadd.s32 @!p0 $0x100000, s0;
	[bflag:$0x2] =	sbarrier.arrive $0xFFFF  }
0x49: {  	[sflag:s0] =	ssyncadd.tile.s32 @!p0 $0x1;
	_ =	shalt  }
.Lfunc_end2:
_tile_overlayer_lowered:
.L_overlay_start_2:
0x4a: {  	(tag) =	ssettag $0x2  }
0x4b: {  	s0 =	rddreg [dreg:$0x0];
	s2 =	stileid.u32  }
0x4c: {  	s1 =	rddreg [dreg:$0x1];
	p0 =	sne.s32 s2, $0x0  }
0x4d: {  	s3 =	rddreg [dreg:$0x2];
	[bflag:$0x3] =	sbarrier.arrive $0xFFFF;
	s2 =	simm.s32 @!p0 $0x1C02  }
0x4e: {  	[timem:s3], [sflag:s2] =	dma.local @!p0 [hbm:s0], s1  }
0x4f: {  	s0 =	simm.s32 @!p0 $0x2  }
0x50: {  	_ =	swait.ge @!p0 [sflag:s0], s1  }
0x51: {  	s1 =	ssub.s32 @!p0 $0x0, s1;
	[sflag:s0] =	ssyncset.done @!p0 $0x0  }
0x52: {  	[sflag:s0] =	ssyncadd.s32 @!p0 s1  }
0x53: {  	[bflag:$0x3] =	sbarrier.arrive $0xFFFF  }
0x54: {  	_ =	shalt  }

</sc_bundles>
